<compile_context>
chip_gen: v7x
topology: tpu7x:2x2x1
jax: 0.10.2.dev20260603
libtpu: 0.0.44.dev20260713+nightly
codegen_flags: <defaults>
</compile_context>

<pallas_src>
import functools

import jax
import jax.numpy as jnp
from jax import lax
from jax.experimental import pallas as pl
from jax.experimental.pallas import tpu as pltpu
from jax.experimental.pallas import tpu_sc as plsc

NUM_ACTIONS = 1000
EMBED_DIM = 64
BATCH = 16384
HIST = 50

NC = 2
NS = 16
NW = NC * NS

N_FLAT = BATCH * HIST
PER_W = N_FLAT // NW
CHUNK = 128
N_CHUNKS = PER_W // CHUNK
NBUF = 4
LAG = 2
N_GROUPS = -(-(N_CHUNKS + LAG) // NBUF)


def _make_kernel():
    mesh = plsc.VectorSubcoreMesh(
        core_axis_name="c", subcore_axis_name="s", num_cores=NC, num_subcores=NS
    )

    @functools.partial(
        pl.kernel,
        out_type=jax.ShapeDtypeStruct((N_FLAT, EMBED_DIM), jnp.float32),
        mesh=mesh,
        scratch_types=[
            pltpu.VMEM_SHARED((NUM_ACTIONS, EMBED_DIM), jnp.float32),
            pltpu.VMEM((N_CHUNKS, CHUNK), jnp.int32),
            pltpu.VMEM((NBUF, CHUNK, EMBED_DIM), jnp.float32),
            pltpu.SemaphoreType.DMA((NBUF,)),
            pltpu.SemaphoreType.DMA((NBUF,)),
        ],
        compiler_params=pltpu.CompilerParams(
            use_tc_tiling_on_sc=False, needs_layout_passes=False
        ),
    )
    def gather_kernel(idx_hbm, table_hbm, out_hbm, table_s, idx_v, rows_v, gsem, osem):
        sid = lax.axis_index("s")
        wid = sid * NC + lax.axis_index("c")
        base = wid * PER_W

        @pl.when(sid == 0)
        def _():
            pltpu.sync_copy(table_hbm, table_s)

        pltpu.sync_copy(idx_hbm.at[wid], idx_v)
        plsc.subcore_barrier()

        def wait_gather(j, b):
            pltpu.make_async_copy(
                table_s.at[idx_v.at[j]], rows_v.at[b], gsem.at[b]
            ).wait()

        def wait_write(j, b):
            pltpu.make_async_copy(
                rows_v.at[b], out_hbm.at[pl.ds(base + j * CHUNK, CHUNK)], osem.at[b]
            ).wait()

        def body(g, carry):
            for b in range(NBUF):
                i = g * NBUF + b

                @pl.when(i < N_CHUNKS)
                def _(i=i, b=b):
                    @pl.when(i >= NBUF)
                    def _():
                        wait_write(i - NBUF, b)

                    pltpu.async_copy(
                        table_s.at[idx_v.at[i]], rows_v.at[b], gsem.at[b]
                    )

                jw = i - LAG
                bw = (b - LAG) % NBUF

                @pl.when((jw >= 0) & (jw < N_CHUNKS))
                def _(jw=jw, bw=bw):
                    wait_gather(jw, bw)
                    pltpu.async_copy(
                        rows_v.at[bw],
                        out_hbm.at[pl.ds(base + jw * CHUNK, CHUNK)],
                        osem.at[bw],
                    )

            return carry

        lax.fori_loop(0, N_GROUPS, body, 0)

        for b in range(NBUF):
            j = N_CHUNKS - NBUF + b
            wait_write(j, j % NBUF)

    return gather_kernel


_gather = _make_kernel()


@jax.jit
def kernel(action_indices, embedding_table):
    idx = action_indices.astype(jnp.int32).reshape(NW, N_CHUNKS, CHUNK)
    out = _gather(idx, embedding_table)
    return out.reshape(BATCH, HIST, EMBED_DIM)

# --- scband reference (transcript-rebuilt; emitter-appended) ---
"""Pipeline reference for scband-action-embedding-10960756539407 (READ-ONLY COPY).

The authoritative reference and input builder live on the scoring server;
editing this copy changes nothing except your own understanding.
"""

import jax, jax.numpy as jnp
import numpy as np

NUM_ACTIONS = 1000
EMBED_DIM = 64
BATCH = 16384
HIST = 50

def setup_inputs(seed: int = 0) -> dict:
    key = jax.random.key(seed)
    k_idx, k_tab = jax.random.split(key)
    action_indices = jax.random.randint(k_idx, (BATCH, HIST), 0, NUM_ACTIONS, dtype=jnp.int64 if jax.config.jax_enable_x64 else jnp.int32)
    embedding_table = jax.random.normal(k_tab, (NUM_ACTIONS, EMBED_DIM), dtype=jnp.float32)
    return {"action_indices": action_indices, "embedding_table": embedding_table}

def reference(action_indices, embedding_table):
    # nn.Embedding lookup: table[indices]
    return jnp.take(embedding_table, action_indices, axis=0)

if __name__ == "__main__":
    import jax
    _d = setup_inputs()
    print(jax.jit(kernel)(*tuple(_d.values())))

</pallas_src>

<mosaic_0001>
#map = affine_map<(d0, d1) -> (0, 0, 0)>
#map1 = affine_map<(d0, d1) -> (0, 0)>
module attributes {stable_mosaic.version = 14 : i64} {
  func.func @gather_kernel(%arg0: i32, %arg1: i32, %arg2: memref<32x200x128xi32, #tpu.memory_space<hbm>>, %arg3: memref<1000x64xf32, #tpu.memory_space<hbm>>, %arg4: memref<819200x64xf32, #tpu.memory_space<hbm>>, %arg5: memref<1000x64xf32, #tpu.memory_space<vmem_shared>>, %arg6: memref<200x128xi32, #tpu.memory_space<vmem>>, %arg7: memref<4x128x64xf32, #tpu.memory_space<vmem>>, %arg8: memref<4x!tpu.dma_semaphore, #tpu.memory_space<semaphore_mem>>, %arg9: memref<4x!tpu.dma_semaphore, #tpu.memory_space<semaphore_mem>>) attributes {dimension_semantics = [#tpu.dimension_semantics<core_parallel>, #tpu.dimension_semantics<subcore_parallel>], iteration_bounds = array<i64: 2, 16>, scalar_prefetch = 0 : i64, scratch_operands = 5 : i64, tpu.core_type = #tpu.core_type<sc_vector_subcore>, window_params = [{transform_indices = #map}, {transform_indices = #map1}, {transform_indices = #map1}]} {
    %mul3A = arith.constant 2 : i32
    %mul3A_0 = arith.muli %arg1, %mul3A : i32
    %add3A = arith.addi %mul3A_0, %arg0 : i32
    %mul3A_1 = arith.constant 25600 : i32
    %mul3A_2 = arith.muli %add3A, %mul3A_1 : i32
    %eq3A = arith.constant 0 : i32
    %eq3A_3 = arith.cmpi eq, %arg1, %eq3A : i32
    %convert_element_type3A = arith.extui %eq3A_3 : i1 to i32
    %cond3A = arith.constant 0 : i32
    %cond3A_4 = arith.cmpi ne, %convert_element_type3A, %cond3A : i32
    scf.if %cond3A_4 {
      "tpu.region"() ({
        %run_scoped3A = tpu.sem_alloc : memref<!tpu.dma_semaphore, #tpu.memory_space<semaphore_mem>>
        tpu.enqueue_dma source(%arg3 : memref<1000x64xf32, #tpu.memory_space<hbm>>) target(%arg5 : memref<1000x64xf32, #tpu.memory_space<vmem_shared>>) target_semaphore(%run_scoped3A : memref<!tpu.dma_semaphore, #tpu.memory_space<semaphore_mem>>)
        tpu.wait_dma2 semaphore(%run_scoped3A : memref<!tpu.dma_semaphore, #tpu.memory_space<semaphore_mem>>) src(%arg3 : memref<1000x64xf32, #tpu.memory_space<hbm>>) dst(%arg5 : memref<1000x64xf32, #tpu.memory_space<vmem_shared>>)
        tpu.yield
      }) : () -> ()
    } else {
    }
    "tpu.region"() ({
      %run_scoped3A = tpu.sem_alloc : memref<!tpu.dma_semaphore, #tpu.memory_space<semaphore_mem>>
      %dma_start3A = arith.constant 0 : i32
      %dma_start3A_81 = arith.constant 0 : i32
      %dma_start3A_82 = tpu.memref_slice %arg2[%add3A, %dma_start3A, %dma_start3A_81] : memref<32x200x128xi32, #tpu.memory_space<hbm>> -> memref<1x200x128xi32, #tpu.memory_space<hbm>>
      %dma_start3A_83 = tpu.memref_squeeze %dma_start3A_82 : memref<1x200x128xi32, #tpu.memory_space<hbm>> -> memref<200x128xi32, #tpu.memory_space<hbm>>
      %dma_start3A_84 = arith.constant 0 : i32
      %dma_start3A_85 = arith.constant 0 : i32
      %dma_start3A_86 = tpu.memref_slice %arg2[%add3A, %dma_start3A_84, %dma_start3A_85] : memref<32x200x128xi32, #tpu.memory_space<hbm>> -> memref<1x200x128xi32, #tpu.memory_space<hbm>>
      %dma_start3A_87 = tpu.memref_squeeze %dma_start3A_86 : memref<1x200x128xi32, #tpu.memory_space<hbm>> -> memref<200x128xi32, #tpu.memory_space<hbm>>
      tpu.enqueue_dma source(%dma_start3A_87 : memref<200x128xi32, #tpu.memory_space<hbm>>) target(%arg6 : memref<200x128xi32, #tpu.memory_space<vmem>>) target_semaphore(%run_scoped3A : memref<!tpu.dma_semaphore, #tpu.memory_space<semaphore_mem>>)
      %dma_wait3A_88 = arith.constant 0 : i32
      %dma_wait3A_89 = arith.constant 0 : i32
      %dma_wait3A_90 = tpu.memref_slice %arg2[%add3A, %dma_wait3A_88, %dma_wait3A_89] : memref<32x200x128xi32, #tpu.memory_space<hbm>> -> memref<1x200x128xi32, #tpu.memory_space<hbm>>
      %dma_wait3A_91 = tpu.memref_squeeze %dma_wait3A_90 : memref<1x200x128xi32, #tpu.memory_space<hbm>> -> memref<200x128xi32, #tpu.memory_space<hbm>>
      %dma_wait3A_92 = arith.constant 0 : i32
      %dma_wait3A_93 = arith.constant 0 : i32
      %dma_wait3A_94 = tpu.memref_slice %arg2[%add3A, %dma_wait3A_92, %dma_wait3A_93] : memref<32x200x128xi32, #tpu.memory_space<hbm>> -> memref<1x200x128xi32, #tpu.memory_space<hbm>>
      %dma_wait3A_95 = tpu.memref_squeeze %dma_wait3A_94 : memref<1x200x128xi32, #tpu.memory_space<hbm>> -> memref<200x128xi32, #tpu.memory_space<hbm>>
      tpu.wait_dma2 semaphore(%run_scoped3A : memref<!tpu.dma_semaphore, #tpu.memory_space<semaphore_mem>>) src(%dma_wait3A_95 : memref<200x128xi32, #tpu.memory_space<hbm>>) dst(%arg6 : memref<200x128xi32, #tpu.memory_space<vmem>>)
      tpu.yield
    }) : () -> ()
    %barrier3A = arith.constant 0 : index
    tpu.barrier barrier_id(%barrier3A)
    %scan3A = arith.constant 0 : i32
    %scan3A_5 = arith.constant 0 : i32
    %scan3A_6 = arith.constant 51 : i32
    %scan3A_7 = arith.addi %scan3A_5, %scan3A_6 : i32
    %scan3A_8 = arith.constant 1 : i32
    scf.for %scan3A_81 = %scan3A_5 to %scan3A_7 step %scan3A_8  : i32 {
      %mul3A_82 = arith.constant 4 : i32
      %mul3A_83 = arith.muli %scan3A_81, %mul3A_82 : i32
      %add3A_84 = arith.constant 0 : i32
      %add3A_85 = arith.addi %mul3A_83, %add3A_84 : i32
      %lt3A = arith.constant 200 : i32
      %lt3A_86 = arith.cmpi slt, %add3A_85, %lt3A : i32
      %convert_element_type3A_87 = arith.extui %lt3A_86 : i1 to i32
      %cond3A_88 = arith.constant 0 : i32
      %cond3A_89 = arith.cmpi ne, %convert_element_type3A_87, %cond3A_88 : i32
      scf.if %cond3A_89 {
        %ge3A_154 = arith.constant 4 : i32
        %ge3A_155 = arith.cmpi sge, %add3A_85, %ge3A_154 : i32
        %convert_element_type3A_156 = arith.extui %ge3A_155 : i1 to i32
        %cond3A_157 = arith.constant 0 : i32
        %cond3A_158 = arith.cmpi ne, %convert_element_type3A_156, %cond3A_157 : i32
        scf.if %cond3A_158 {
          %sub3A_172 = arith.constant 4 : i32
          %sub3A_173 = arith.subi %add3A_85, %sub3A_172 : i32
          %mul3A_174 = arith.constant 128 : i32
          %mul3A_175 = arith.muli %sub3A_173, %mul3A_174 : i32
          %add3A_176 = arith.addi %mul3A_2, %mul3A_175 : i32
          %dma_wait3A_177 = arith.constant 0 : i32
          %dma_wait3A_178 = arith.constant 0 : i32
          %dma_wait3A_179 = arith.constant 0 : i32
          %dma_wait3A_180 = arith.constant 0 : i32
          %dma_wait3A_181 = tpu.memref_slice %arg7[%dma_wait3A_177, %dma_wait3A_179, %dma_wait3A_180] : memref<4x128x64xf32, #tpu.memory_space<vmem>> -> memref<1x128x64xf32, #tpu.memory_space<vmem>>
          %dma_wait3A_182 = tpu.memref_squeeze %dma_wait3A_181 : memref<1x128x64xf32, #tpu.memory_space<vmem>> -> memref<128x64xf32, #tpu.memory_space<vmem>>
          %dma_wait3A_183 = arith.constant 0 : i32
          %dma_wait3A_184 = tpu.memref_slice %arg4[%add3A_176, %dma_wait3A_183] : memref<819200x64xf32, #tpu.memory_space<hbm>> -> memref<128x64xf32, #tpu.memory_space<hbm>>
          %dma_wait3A_185 = tpu.memref_slice %arg9[%dma_wait3A_178] : memref<4x!tpu.dma_semaphore, #tpu.memory_space<semaphore_mem>> -> memref<1x!tpu.dma_semaphore, #tpu.memory_space<semaphore_mem>>
          %dma_wait3A_186 = tpu.memref_squeeze %dma_wait3A_185 : memref<1x!tpu.dma_semaphore, #tpu.memory_space<semaphore_mem>> -> memref<!tpu.dma_semaphore, #tpu.memory_space<semaphore_mem>>
          %dma_wait3A_187 = arith.constant 0 : i32
          %dma_wait3A_188 = tpu.memref_slice %arg4[%add3A_176, %dma_wait3A_187] : memref<819200x64xf32, #tpu.memory_space<hbm>> -> memref<128x64xf32, #tpu.memory_space<hbm>>
          %dma_wait3A_189 = arith.constant 0 : i32
          %dma_wait3A_190 = arith.constant 0 : i32
          %dma_wait3A_191 = tpu.memref_slice %arg7[%dma_wait3A_177, %dma_wait3A_189, %dma_wait3A_190] : memref<4x128x64xf32, #tpu.memory_space<vmem>> -> memref<1x128x64xf32, #tpu.memory_space<vmem>>
          %dma_wait3A_192 = tpu.memref_squeeze %dma_wait3A_191 : memref<1x128x64xf32, #tpu.memory_space<vmem>> -> memref<128x64xf32, #tpu.memory_space<vmem>>
          tpu.wait_dma2 semaphore(%dma_wait3A_186 : memref<!tpu.dma_semaphore, #tpu.memory_space<semaphore_mem>>) src(%dma_wait3A_192 : memref<128x64xf32, #tpu.memory_space<vmem>>) dst(%dma_wait3A_188 : memref<128x64xf32, #tpu.memory_space<hbm>>)
        } else {
        }
        %dma_start3A = arith.constant 0 : i32
        %dma_start3A_159 = arith.constant 0 : i32
        %dma_start3A_160 = arith.constant 0 : i32
        %dma_start3A_161 = arith.constant 0 : i32
        %dma_start3A_162 = tpu.memref_slice %arg7[%dma_start3A, %dma_start3A_160, %dma_start3A_161] : memref<4x128x64xf32, #tpu.memory_space<vmem>> -> memref<1x128x64xf32, #tpu.memory_space<vmem>>
        %dma_start3A_163 = tpu.memref_squeeze %dma_start3A_162 : memref<1x128x64xf32, #tpu.memory_space<vmem>> -> memref<128x64xf32, #tpu.memory_space<vmem>>
        %dma_start3A_164 = arith.constant 0 : i32
        %dma_start3A_165 = tpu.memref_slice %arg6[%add3A_85, %dma_start3A_164] : memref<200x128xi32, #tpu.memory_space<vmem>> -> memref<1x128xi32, #tpu.memory_space<vmem>>
        %dma_start3A_166 = tpu.memref_squeeze %dma_start3A_165 : memref<1x128xi32, #tpu.memory_space<vmem>> -> memref<128xi32, #tpu.memory_space<vmem>>
        %dma_start3A_167 = arith.constant 0 : i32
        %dma_start3A_168 = arith.constant 0 : i32
        %dma_start3A_169 = tpu.memref_slice %arg5[%dma_start3A_167, %dma_start3A_168] : memref<1000x64xf32, #tpu.memory_space<vmem_shared>> -> memref<1000x64xf32, #tpu.memory_space<vmem_shared>>
        %dma_start3A_170 = tpu.memref_slice %arg8[%dma_start3A_159] : memref<4x!tpu.dma_semaphore, #tpu.memory_space<semaphore_mem>> -> memref<1x!tpu.dma_semaphore, #tpu.memory_space<semaphore_mem>>
        %dma_start3A_171 = tpu.memref_squeeze %dma_start3A_170 : memref<1x!tpu.dma_semaphore, #tpu.memory_space<semaphore_mem>> -> memref<!tpu.dma_semaphore, #tpu.memory_space<semaphore_mem>>
        tpu.enqueue_indirect_dma source(%dma_start3A_169 : memref<1000x64xf32, #tpu.memory_space<vmem_shared>>) target(%dma_start3A_163 : memref<128x64xf32, #tpu.memory_space<vmem>>) offsets(%dma_start3A_166 : memref<128xi32, #tpu.memory_space<vmem>>) semaphore(%dma_start3A_171 : memref<!tpu.dma_semaphore, #tpu.memory_space<semaphore_mem>>)
      } else {
      }
      %sub3A = arith.constant 2 : i32
      %sub3A_90 = arith.subi %add3A_85, %sub3A : i32
      %ge3A = arith.constant 0 : i32
      %ge3A_91 = arith.cmpi sge, %sub3A_90, %ge3A : i32
      %lt3A_92 = arith.constant 200 : i32
      %lt3A_93 = arith.cmpi slt, %sub3A_90, %lt3A_92 : i32
      %and3A = arith.andi %ge3A_91, %lt3A_93 : i1
      %convert_element_type3A_94 = arith.extui %and3A : i1 to i32
      %cond3A_95 = arith.constant 0 : i32
      %cond3A_96 = arith.cmpi ne, %convert_element_type3A_94, %cond3A_95 : i32
      scf.if %cond3A_96 {
        %dma_wait3A_154 = arith.constant 2 : i32
        %dma_wait3A_155 = arith.constant 2 : i32
        %dma_wait3A_156 = arith.constant 0 : i32
        %dma_wait3A_157 = arith.constant 0 : i32
        %dma_wait3A_158 = tpu.memref_slice %arg7[%dma_wait3A_154, %dma_wait3A_156, %dma_wait3A_157] : memref<4x128x64xf32, #tpu.memory_space<vmem>> -> memref<1x128x64xf32, #tpu.memory_space<vmem>>
        %dma_wait3A_159 = tpu.memref_squeeze %dma_wait3A_158 : memref<1x128x64xf32, #tpu.memory_space<vmem>> -> memref<128x64xf32, #tpu.memory_space<vmem>>
        %dma_wait3A_160 = arith.constant 0 : i32
        %dma_wait3A_161 = tpu.memref_slice %arg6[%sub3A_90, %dma_wait3A_160] : memref<200x128xi32, #tpu.memory_space<vmem>> -> memref<1x128xi32, #tpu.memory_space<vmem>>
        %dma_wait3A_162 = tpu.memref_squeeze %dma_wait3A_161 : memref<1x128xi32, #tpu.memory_space<vmem>> -> memref<128xi32, #tpu.memory_space<vmem>>
        %dma_wait3A_163 = arith.constant 0 : i32
        %dma_wait3A_164 = arith.constant 0 : i32
        %dma_wait3A_165 = tpu.memref_slice %arg5[%dma_wait3A_163, %dma_wait3A_164] : memref<1000x64xf32, #tpu.memory_space<vmem_shared>> -> memref<1000x64xf32, #tpu.memory_space<vmem_shared>>
        %dma_wait3A_166 = tpu.memref_slice %arg8[%dma_wait3A_155] : memref<4x!tpu.dma_semaphore, #tpu.memory_space<semaphore_mem>> -> memref<1x!tpu.dma_semaphore, #tpu.memory_space<semaphore_mem>>
        %dma_wait3A_167 = tpu.memref_squeeze %dma_wait3A_166 : memref<1x!tpu.dma_semaphore, #tpu.memory_space<semaphore_mem>> -> memref<!tpu.dma_semaphore, #tpu.memory_space<semaphore_mem>>
        tpu.wait_indirect_dma semaphore(%dma_wait3A_167 : memref<!tpu.dma_semaphore, #tpu.memory_space<semaphore_mem>>) src(%dma_wait3A_165 : memref<1000x64xf32, #tpu.memory_space<vmem_shared>>) dst(%dma_wait3A_159 : memref<128x64xf32, #tpu.memory_space<vmem>>)
        %mul3A_168 = arith.constant 128 : i32
        %mul3A_169 = arith.muli %sub3A_90, %mul3A_168 : i32
        %add3A_170 = arith.addi %mul3A_2, %mul3A_169 : i32
        %dma_start3A = arith.constant 2 : i32
        %dma_start3A_171 = arith.constant 2 : i32
        %dma_start3A_172 = arith.constant 0 : i32
        %dma_start3A_173 = arith.constant 0 : i32
        %dma_start3A_174 = tpu.memref_slice %arg7[%dma_start3A, %dma_start3A_172, %dma_start3A_173] : memref<4x128x64xf32, #tpu.memory_space<vmem>> -> memref<1x128x64xf32, #tpu.memory_space<vmem>>
        %dma_start3A_175 = tpu.memref_squeeze %dma_start3A_174 : memref<1x128x64xf32, #tpu.memory_space<vmem>> -> memref<128x64xf32, #tpu.memory_space<vmem>>
        %dma_start3A_176 = arith.constant 0 : i32
        %dma_start3A_177 = tpu.memref_slice %arg4[%add3A_170, %dma_start3A_176] : memref<819200x64xf32, #tpu.memory_space<hbm>> -> memref<128x64xf32, #tpu.memory_space<hbm>>
        %dma_start3A_178 = tpu.memref_slice %arg9[%dma_start3A_171] : memref<4x!tpu.dma_semaphore, #tpu.memory_space<semaphore_mem>> -> memref<1x!tpu.dma_semaphore, #tpu.memory_space<semaphore_mem>>
        %dma_start3A_179 = tpu.memref_squeeze %dma_start3A_178 : memref<1x!tpu.dma_semaphore, #tpu.memory_space<semaphore_mem>> -> memref<!tpu.dma_semaphore, #tpu.memory_space<semaphore_mem>>
        %dma_start3A_180 = arith.constant 0 : i32
        %dma_start3A_181 = tpu.memref_slice %arg4[%add3A_170, %dma_start3A_180] : memref<819200x64xf32, #tpu.memory_space<hbm>> -> memref<128x64xf32, #tpu.memory_space<hbm>>
        %dma_start3A_182 = arith.constant 0 : i32
        %dma_start3A_183 = arith.constant 0 : i32
        %dma_start3A_184 = tpu.memref_slice %arg7[%dma_start3A, %dma_start3A_182, %dma_start3A_183] : memref<4x128x64xf32, #tpu.memory_space<vmem>> -> memref<1x128x64xf32, #tpu.memory_space<vmem>>
        %dma_start3A_185 = tpu.memref_squeeze %dma_start3A_184 : memref<1x128x64xf32, #tpu.memory_space<vmem>> -> memref<128x64xf32, #tpu.memory_space<vmem>>
        tpu.enqueue_dma source(%dma_start3A_185 : memref<128x64xf32, #tpu.memory_space<vmem>>) target(%dma_start3A_181 : memref<128x64xf32, #tpu.memory_space<hbm>>) target_semaphore(%dma_start3A_179 : memref<!tpu.dma_semaphore, #tpu.memory_space<semaphore_mem>>)
      } else {
      }
      %mul3A_97 = arith.constant 4 : i32
      %mul3A_98 = arith.muli %scan3A_81, %mul3A_97 : i32
      %add3A_99 = arith.constant 1 : i32
      %add3A_100 = arith.addi %mul3A_98, %add3A_99 : i32
      %lt3A_101 = arith.constant 200 : i32
      %lt3A_102 = arith.cmpi slt, %add3A_100, %lt3A_101 : i32
      %convert_element_type3A_103 = arith.extui %lt3A_102 : i1 to i32
      %cond3A_104 = arith.constant 0 : i32
      %cond3A_105 = arith.cmpi ne, %convert_element_type3A_103, %cond3A_104 : i32
      scf.if %cond3A_105 {
        %ge3A_154 = arith.constant 4 : i32
        %ge3A_155 = arith.cmpi sge, %add3A_100, %ge3A_154 : i32
        %convert_element_type3A_156 = arith.extui %ge3A_155 : i1 to i32
        %cond3A_157 = arith.constant 0 : i32
        %cond3A_158 = arith.cmpi ne, %convert_element_type3A_156, %cond3A_157 : i32
        scf.if %cond3A_158 {
          %sub3A_172 = arith.constant 4 : i32
          %sub3A_173 = arith.subi %add3A_100, %sub3A_172 : i32
          %mul3A_174 = arith.constant 128 : i32
          %mul3A_175 = arith.muli %sub3A_173, %mul3A_174 : i32
          %add3A_176 = arith.addi %mul3A_2, %mul3A_175 : i32
          %dma_wait3A_177 = arith.constant 1 : i32
          %dma_wait3A_178 = arith.constant 1 : i32
          %dma_wait3A_179 = arith.constant 0 : i32
          %dma_wait3A_180 = arith.constant 0 : i32
          %dma_wait3A_181 = tpu.memref_slice %arg7[%dma_wait3A_177, %dma_wait3A_179, %dma_wait3A_180] : memref<4x128x64xf32, #tpu.memory_space<vmem>> -> memref<1x128x64xf32, #tpu.memory_space<vmem>>
          %dma_wait3A_182 = tpu.memref_squeeze %dma_wait3A_181 : memref<1x128x64xf32, #tpu.memory_space<vmem>> -> memref<128x64xf32, #tpu.memory_space<vmem>>
          %dma_wait3A_183 = arith.constant 0 : i32
          %dma_wait3A_184 = tpu.memref_slice %arg4[%add3A_176, %dma_wait3A_183] : memref<819200x64xf32, #tpu.memory_space<hbm>> -> memref<128x64xf32, #tpu.memory_space<hbm>>
          %dma_wait3A_185 = tpu.memref_slice %arg9[%dma_wait3A_178] : memref<4x!tpu.dma_semaphore, #tpu.memory_space<semaphore_mem>> -> memref<1x!tpu.dma_semaphore, #tpu.memory_space<semaphore_mem>>
          %dma_wait3A_186 = tpu.memref_squeeze %dma_wait3A_185 : memref<1x!tpu.dma_semaphore, #tpu.memory_space<semaphore_mem>> -> memref<!tpu.dma_semaphore, #tpu.memory_space<semaphore_mem>>
          %dma_wait3A_187 = arith.constant 0 : i32
          %dma_wait3A_188 = tpu.memref_slice %arg4[%add3A_176, %dma_wait3A_187] : memref<819200x64xf32, #tpu.memory_space<hbm>> -> memref<128x64xf32, #tpu.memory_space<hbm>>
          %dma_wait3A_189 = arith.constant 0 : i32
          %dma_wait3A_190 = arith.constant 0 : i32
          %dma_wait3A_191 = tpu.memref_slice %arg7[%dma_wait3A_177, %dma_wait3A_189, %dma_wait3A_190] : memref<4x128x64xf32, #tpu.memory_space<vmem>> -> memref<1x128x64xf32, #tpu.memory_space<vmem>>
          %dma_wait3A_192 = tpu.memref_squeeze %dma_wait3A_191 : memref<1x128x64xf32, #tpu.memory_space<vmem>> -> memref<128x64xf32, #tpu.memory_space<vmem>>
          tpu.wait_dma2 semaphore(%dma_wait3A_186 : memref<!tpu.dma_semaphore, #tpu.memory_space<semaphore_mem>>) src(%dma_wait3A_192 : memref<128x64xf32, #tpu.memory_space<vmem>>) dst(%dma_wait3A_188 : memref<128x64xf32, #tpu.memory_space<hbm>>)
        } else {
        }
        %dma_start3A = arith.constant 1 : i32
        %dma_start3A_159 = arith.constant 1 : i32
        %dma_start3A_160 = arith.constant 0 : i32
        %dma_start3A_161 = arith.constant 0 : i32
        %dma_start3A_162 = tpu.memref_slice %arg7[%dma_start3A, %dma_start3A_160, %dma_start3A_161] : memref<4x128x64xf32, #tpu.memory_space<vmem>> -> memref<1x128x64xf32, #tpu.memory_space<vmem>>
        %dma_start3A_163 = tpu.memref_squeeze %dma_start3A_162 : memref<1x128x64xf32, #tpu.memory_space<vmem>> -> memref<128x64xf32, #tpu.memory_space<vmem>>
        %dma_start3A_164 = arith.constant 0 : i32
        %dma_start3A_165 = tpu.memref_slice %arg6[%add3A_100, %dma_start3A_164] : memref<200x128xi32, #tpu.memory_space<vmem>> -> memref<1x128xi32, #tpu.memory_space<vmem>>
        %dma_start3A_166 = tpu.memref_squeeze %dma_start3A_165 : memref<1x128xi32, #tpu.memory_space<vmem>> -> memref<128xi32, #tpu.memory_space<vmem>>
        %dma_start3A_167 = arith.constant 0 : i32
        %dma_start3A_168 = arith.constant 0 : i32
        %dma_start3A_169 = tpu.memref_slice %arg5[%dma_start3A_167, %dma_start3A_168] : memref<1000x64xf32, #tpu.memory_space<vmem_shared>> -> memref<1000x64xf32, #tpu.memory_space<vmem_shared>>
        %dma_start3A_170 = tpu.memref_slice %arg8[%dma_start3A_159] : memref<4x!tpu.dma_semaphore, #tpu.memory_space<semaphore_mem>> -> memref<1x!tpu.dma_semaphore, #tpu.memory_space<semaphore_mem>>
        %dma_start3A_171 = tpu.memref_squeeze %dma_start3A_170 : memref<1x!tpu.dma_semaphore, #tpu.memory_space<semaphore_mem>> -> memref<!tpu.dma_semaphore, #tpu.memory_space<semaphore_mem>>
        tpu.enqueue_indirect_dma source(%dma_start3A_169 : memref<1000x64xf32, #tpu.memory_space<vmem_shared>>) target(%dma_start3A_163 : memref<128x64xf32, #tpu.memory_space<vmem>>) offsets(%dma_start3A_166 : memref<128xi32, #tpu.memory_space<vmem>>) semaphore(%dma_start3A_171 : memref<!tpu.dma_semaphore, #tpu.memory_space<semaphore_mem>>)
      } else {
      }
      %sub3A_106 = arith.constant 2 : i32
      %sub3A_107 = arith.subi %add3A_100, %sub3A_106 : i32
      %ge3A_108 = arith.constant 0 : i32
      %ge3A_109 = arith.cmpi sge, %sub3A_107, %ge3A_108 : i32
      %lt3A_110 = arith.constant 200 : i32
      %lt3A_111 = arith.cmpi slt, %sub3A_107, %lt3A_110 : i32
      %and3A_112 = arith.andi %ge3A_109, %lt3A_111 : i1
      %convert_element_type3A_113 = arith.extui %and3A_112 : i1 to i32
      %cond3A_114 = arith.constant 0 : i32
      %cond3A_115 = arith.cmpi ne, %convert_element_type3A_113, %cond3A_114 : i32
      scf.if %cond3A_115 {
        %dma_wait3A_154 = arith.constant 3 : i32
        %dma_wait3A_155 = arith.constant 3 : i32
        %dma_wait3A_156 = arith.constant 0 : i32
        %dma_wait3A_157 = arith.constant 0 : i32
        %dma_wait3A_158 = tpu.memref_slice %arg7[%dma_wait3A_154, %dma_wait3A_156, %dma_wait3A_157] : memref<4x128x64xf32, #tpu.memory_space<vmem>> -> memref<1x128x64xf32, #tpu.memory_space<vmem>>
        %dma_wait3A_159 = tpu.memref_squeeze %dma_wait3A_158 : memref<1x128x64xf32, #tpu.memory_space<vmem>> -> memref<128x64xf32, #tpu.memory_space<vmem>>
        %dma_wait3A_160 = arith.constant 0 : i32
        %dma_wait3A_161 = tpu.memref_slice %arg6[%sub3A_107, %dma_wait3A_160] : memref<200x128xi32, #tpu.memory_space<vmem>> -> memref<1x128xi32, #tpu.memory_space<vmem>>
        %dma_wait3A_162 = tpu.memref_squeeze %dma_wait3A_161 : memref<1x128xi32, #tpu.memory_space<vmem>> -> memref<128xi32, #tpu.memory_space<vmem>>
        %dma_wait3A_163 = arith.constant 0 : i32
        %dma_wait3A_164 = arith.constant 0 : i32
        %dma_wait3A_165 = tpu.memref_slice %arg5[%dma_wait3A_163, %dma_wait3A_164] : memref<1000x64xf32, #tpu.memory_space<vmem_shared>> -> memref<1000x64xf32, #tpu.memory_space<vmem_shared>>
        %dma_wait3A_166 = tpu.memref_slice %arg8[%dma_wait3A_155] : memref<4x!tpu.dma_semaphore, #tpu.memory_space<semaphore_mem>> -> memref<1x!tpu.dma_semaphore, #tpu.memory_space<semaphore_mem>>
        %dma_wait3A_167 = tpu.memref_squeeze %dma_wait3A_166 : memref<1x!tpu.dma_semaphore, #tpu.memory_space<semaphore_mem>> -> memref<!tpu.dma_semaphore, #tpu.memory_space<semaphore_mem>>
        tpu.wait_indirect_dma semaphore(%dma_wait3A_167 : memref<!tpu.dma_semaphore, #tpu.memory_space<semaphore_mem>>) src(%dma_wait3A_165 : memref<1000x64xf32, #tpu.memory_space<vmem_shared>>) dst(%dma_wait3A_159 : memref<128x64xf32, #tpu.memory_space<vmem>>)
        %mul3A_168 = arith.constant 128 : i32
        %mul3A_169 = arith.muli %sub3A_107, %mul3A_168 : i32
        %add3A_170 = arith.addi %mul3A_2, %mul3A_169 : i32
        %dma_start3A = arith.constant 3 : i32
        %dma_start3A_171 = arith.constant 3 : i32
        %dma_start3A_172 = arith.constant 0 : i32
        %dma_start3A_173 = arith.constant 0 : i32
        %dma_start3A_174 = tpu.memref_slice %arg7[%dma_start3A, %dma_start3A_172, %dma_start3A_173] : memref<4x128x64xf32, #tpu.memory_space<vmem>> -> memref<1x128x64xf32, #tpu.memory_space<vmem>>
        %dma_start3A_175 = tpu.memref_squeeze %dma_start3A_174 : memref<1x128x64xf32, #tpu.memory_space<vmem>> -> memref<128x64xf32, #tpu.memory_space<vmem>>
        %dma_start3A_176 = arith.constant 0 : i32
        %dma_start3A_177 = tpu.memref_slice %arg4[%add3A_170, %dma_start3A_176] : memref<819200x64xf32, #tpu.memory_space<hbm>> -> memref<128x64xf32, #tpu.memory_space<hbm>>
        %dma_start3A_178 = tpu.memref_slice %arg9[%dma_start3A_171] : memref<4x!tpu.dma_semaphore, #tpu.memory_space<semaphore_mem>> -> memref<1x!tpu.dma_semaphore, #tpu.memory_space<semaphore_mem>>
        %dma_start3A_179 = tpu.memref_squeeze %dma_start3A_178 : memref<1x!tpu.dma_semaphore, #tpu.memory_space<semaphore_mem>> -> memref<!tpu.dma_semaphore, #tpu.memory_space<semaphore_mem>>
        %dma_start3A_180 = arith.constant 0 : i32
        %dma_start3A_181 = tpu.memref_slice %arg4[%add3A_170, %dma_start3A_180] : memref<819200x64xf32, #tpu.memory_space<hbm>> -> memref<128x64xf32, #tpu.memory_space<hbm>>
        %dma_start3A_182 = arith.constant 0 : i32
        %dma_start3A_183 = arith.constant 0 : i32
        %dma_start3A_184 = tpu.memref_slice %arg7[%dma_start3A, %dma_start3A_182, %dma_start3A_183] : memref<4x128x64xf32, #tpu.memory_space<vmem>> -> memref<1x128x64xf32, #tpu.memory_space<vmem>>
        %dma_start3A_185 = tpu.memref_squeeze %dma_start3A_184 : memref<1x128x64xf32, #tpu.memory_space<vmem>> -> memref<128x64xf32, #tpu.memory_space<vmem>>
        tpu.enqueue_dma source(%dma_start3A_185 : memref<128x64xf32, #tpu.memory_space<vmem>>) target(%dma_start3A_181 : memref<128x64xf32, #tpu.memory_space<hbm>>) target_semaphore(%dma_start3A_179 : memref<!tpu.dma_semaphore, #tpu.memory_space<semaphore_mem>>)
      } else {
      }
      %mul3A_116 = arith.constant 4 : i32
      %mul3A_117 = arith.muli %scan3A_81, %mul3A_116 : i32
      %add3A_118 = arith.constant 2 : i32
      %add3A_119 = arith.addi %mul3A_117, %add3A_118 : i32
      %lt3A_120 = arith.constant 200 : i32
      %lt3A_121 = arith.cmpi slt, %add3A_119, %lt3A_120 : i32
      %convert_element_type3A_122 = arith.extui %lt3A_121 : i1 to i32
      %cond3A_123 = arith.constant 0 : i32
      %cond3A_124 = arith.cmpi ne, %convert_element_type3A_122, %cond3A_123 : i32
      scf.if %cond3A_124 {
        %ge3A_154 = arith.constant 4 : i32
        %ge3A_155 = arith.cmpi sge, %add3A_119, %ge3A_154 : i32
        %convert_element_type3A_156 = arith.extui %ge3A_155 : i1 to i32
        %cond3A_157 = arith.constant 0 : i32
        %cond3A_158 = arith.cmpi ne, %convert_element_type3A_156, %cond3A_157 : i32
        scf.if %cond3A_158 {
          %sub3A_172 = arith.constant 4 : i32
          %sub3A_173 = arith.subi %add3A_119, %sub3A_172 : i32
          %mul3A_174 = arith.constant 128 : i32
          %mul3A_175 = arith.muli %sub3A_173, %mul3A_174 : i32
          %add3A_176 = arith.addi %mul3A_2, %mul3A_175 : i32
          %dma_wait3A_177 = arith.constant 2 : i32
          %dma_wait3A_178 = arith.constant 2 : i32
          %dma_wait3A_179 = arith.constant 0 : i32
          %dma_wait3A_180 = arith.constant 0 : i32
          %dma_wait3A_181 = tpu.memref_slice %arg7[%dma_wait3A_177, %dma_wait3A_179, %dma_wait3A_180] : memref<4x128x64xf32, #tpu.memory_space<vmem>> -> memref<1x128x64xf32, #tpu.memory_space<vmem>>
          %dma_wait3A_182 = tpu.memref_squeeze %dma_wait3A_181 : memref<1x128x64xf32, #tpu.memory_space<vmem>> -> memref<128x64xf32, #tpu.memory_space<vmem>>
          %dma_wait3A_183 = arith.constant 0 : i32
          %dma_wait3A_184 = tpu.memref_slice %arg4[%add3A_176, %dma_wait3A_183] : memref<819200x64xf32, #tpu.memory_space<hbm>> -> memref<128x64xf32, #tpu.memory_space<hbm>>
          %dma_wait3A_185 = tpu.memref_slice %arg9[%dma_wait3A_178] : memref<4x!tpu.dma_semaphore, #tpu.memory_space<semaphore_mem>> -> memref<1x!tpu.dma_semaphore, #tpu.memory_space<semaphore_mem>>
          %dma_wait3A_186 = tpu.memref_squeeze %dma_wait3A_185 : memref<1x!tpu.dma_semaphore, #tpu.memory_space<semaphore_mem>> -> memref<!tpu.dma_semaphore, #tpu.memory_space<semaphore_mem>>
          %dma_wait3A_187 = arith.constant 0 : i32
          %dma_wait3A_188 = tpu.memref_slice %arg4[%add3A_176, %dma_wait3A_187] : memref<819200x64xf32, #tpu.memory_space<hbm>> -> memref<128x64xf32, #tpu.memory_space<hbm>>
          %dma_wait3A_189 = arith.constant 0 : i32
          %dma_wait3A_190 = arith.constant 0 : i32
          %dma_wait3A_191 = tpu.memref_slice %arg7[%dma_wait3A_177, %dma_wait3A_189, %dma_wait3A_190] : memref<4x128x64xf32, #tpu.memory_space<vmem>> -> memref<1x128x64xf32, #tpu.memory_space<vmem>>
          %dma_wait3A_192 = tpu.memref_squeeze %dma_wait3A_191 : memref<1x128x64xf32, #tpu.memory_space<vmem>> -> memref<128x64xf32, #tpu.memory_space<vmem>>
          tpu.wait_dma2 semaphore(%dma_wait3A_186 : memref<!tpu.dma_semaphore, #tpu.memory_space<semaphore_mem>>) src(%dma_wait3A_192 : memref<128x64xf32, #tpu.memory_space<vmem>>) dst(%dma_wait3A_188 : memref<128x64xf32, #tpu.memory_space<hbm>>)
        } else {
        }
        %dma_start3A = arith.constant 2 : i32
        %dma_start3A_159 = arith.constant 2 : i32
        %dma_start3A_160 = arith.constant 0 : i32
        %dma_start3A_161 = arith.constant 0 : i32
        %dma_start3A_162 = tpu.memref_slice %arg7[%dma_start3A, %dma_start3A_160, %dma_start3A_161] : memref<4x128x64xf32, #tpu.memory_space<vmem>> -> memref<1x128x64xf32, #tpu.memory_space<vmem>>
        %dma_start3A_163 = tpu.memref_squeeze %dma_start3A_162 : memref<1x128x64xf32, #tpu.memory_space<vmem>> -> memref<128x64xf32, #tpu.memory_space<vmem>>
        %dma_start3A_164 = arith.constant 0 : i32
        %dma_start3A_165 = tpu.memref_slice %arg6[%add3A_119, %dma_start3A_164] : memref<200x128xi32, #tpu.memory_space<vmem>> -> memref<1x128xi32, #tpu.memory_space<vmem>>
        %dma_start3A_166 = tpu.memref_squeeze %dma_start3A_165 : memref<1x128xi32, #tpu.memory_space<vmem>> -> memref<128xi32, #tpu.memory_space<vmem>>
        %dma_start3A_167 = arith.constant 0 : i32
        %dma_start3A_168 = arith.constant 0 : i32
        %dma_start3A_169 = tpu.memref_slice %arg5[%dma_start3A_167, %dma_start3A_168] : memref<1000x64xf32, #tpu.memory_space<vmem_shared>> -> memref<1000x64xf32, #tpu.memory_space<vmem_shared>>
        %dma_start3A_170 = tpu.memref_slice %arg8[%dma_start3A_159] : memref<4x!tpu.dma_semaphore, #tpu.memory_space<semaphore_mem>> -> memref<1x!tpu.dma_semaphore, #tpu.memory_space<semaphore_mem>>
        %dma_start3A_171 = tpu.memref_squeeze %dma_start3A_170 : memref<1x!tpu.dma_semaphore, #tpu.memory_space<semaphore_mem>> -> memref<!tpu.dma_semaphore, #tpu.memory_space<semaphore_mem>>
        tpu.enqueue_indirect_dma source(%dma_start3A_169 : memref<1000x64xf32, #tpu.memory_space<vmem_shared>>) target(%dma_start3A_163 : memref<128x64xf32, #tpu.memory_space<vmem>>) offsets(%dma_start3A_166 : memref<128xi32, #tpu.memory_space<vmem>>) semaphore(%dma_start3A_171 : memref<!tpu.dma_semaphore, #tpu.memory_space<semaphore_mem>>)
      } else {
      }
      %sub3A_125 = arith.constant 2 : i32
      %sub3A_126 = arith.subi %add3A_119, %sub3A_125 : i32
      %ge3A_127 = arith.constant 0 : i32
      %ge3A_128 = arith.cmpi sge, %sub3A_126, %ge3A_127 : i32
      %lt3A_129 = arith.constant 200 : i32
      %lt3A_130 = arith.cmpi slt, %sub3A_126, %lt3A_129 : i32
      %and3A_131 = arith.andi %ge3A_128, %lt3A_130 : i1
      %convert_element_type3A_132 = arith.extui %and3A_131 : i1 to i32
      %cond3A_133 = arith.constant 0 : i32
      %cond3A_134 = arith.cmpi ne, %convert_element_type3A_132, %cond3A_133 : i32
      scf.if %cond3A_134 {
        %dma_wait3A_154 = arith.constant 0 : i32
        %dma_wait3A_155 = arith.constant 0 : i32
        %dma_wait3A_156 = arith.constant 0 : i32
        %dma_wait3A_157 = arith.constant 0 : i32
        %dma_wait3A_158 = tpu.memref_slice %arg7[%dma_wait3A_154, %dma_wait3A_156, %dma_wait3A_157] : memref<4x128x64xf32, #tpu.memory_space<vmem>> -> memref<1x128x64xf32, #tpu.memory_space<vmem>>
        %dma_wait3A_159 = tpu.memref_squeeze %dma_wait3A_158 : memref<1x128x64xf32, #tpu.memory_space<vmem>> -> memref<128x64xf32, #tpu.memory_space<vmem>>
        %dma_wait3A_160 = arith.constant 0 : i32
        %dma_wait3A_161 = tpu.memref_slice %arg6[%sub3A_126, %dma_wait3A_160] : memref<200x128xi32, #tpu.memory_space<vmem>> -> memref<1x128xi32, #tpu.memory_space<vmem>>
        %dma_wait3A_162 = tpu.memref_squeeze %dma_wait3A_161 : memref<1x128xi32, #tpu.memory_space<vmem>> -> memref<128xi32, #tpu.memory_space<vmem>>
        %dma_wait3A_163 = arith.constant 0 : i32
        %dma_wait3A_164 = arith.constant 0 : i32
        %dma_wait3A_165 = tpu.memref_slice %arg5[%dma_wait3A_163, %dma_wait3A_164] : memref<1000x64xf32, #tpu.memory_space<vmem_shared>> -> memref<1000x64xf32, #tpu.memory_space<vmem_shared>>
        %dma_wait3A_166 = tpu.memref_slice %arg8[%dma_wait3A_155] : memref<4x!tpu.dma_semaphore, #tpu.memory_space<semaphore_mem>> -> memref<1x!tpu.dma_semaphore, #tpu.memory_space<semaphore_mem>>
        %dma_wait3A_167 = tpu.memref_squeeze %dma_wait3A_166 : memref<1x!tpu.dma_semaphore, #tpu.memory_space<semaphore_mem>> -> memref<!tpu.dma_semaphore, #tpu.memory_space<semaphore_mem>>
        tpu.wait_indirect_dma semaphore(%dma_wait3A_167 : memref<!tpu.dma_semaphore, #tpu.memory_space<semaphore_mem>>) src(%dma_wait3A_165 : memref<1000x64xf32, #tpu.memory_space<vmem_shared>>) dst(%dma_wait3A_159 : memref<128x64xf32, #tpu.memory_space<vmem>>)
        %mul3A_168 = arith.constant 128 : i32
        %mul3A_169 = arith.muli %sub3A_126, %mul3A_168 : i32
        %add3A_170 = arith.addi %mul3A_2, %mul3A_169 : i32
        %dma_start3A = arith.constant 0 : i32
        %dma_start3A_171 = arith.constant 0 : i32
        %dma_start3A_172 = arith.constant 0 : i32
        %dma_start3A_173 = arith.constant 0 : i32
        %dma_start3A_174 = tpu.memref_slice %arg7[%dma_start3A, %dma_start3A_172, %dma_start3A_173] : memref<4x128x64xf32, #tpu.memory_space<vmem>> -> memref<1x128x64xf32, #tpu.memory_space<vmem>>
        %dma_start3A_175 = tpu.memref_squeeze %dma_start3A_174 : memref<1x128x64xf32, #tpu.memory_space<vmem>> -> memref<128x64xf32, #tpu.memory_space<vmem>>
        %dma_start3A_176 = arith.constant 0 : i32
        %dma_start3A_177 = tpu.memref_slice %arg4[%add3A_170, %dma_start3A_176] : memref<819200x64xf32, #tpu.memory_space<hbm>> -> memref<128x64xf32, #tpu.memory_space<hbm>>
        %dma_start3A_178 = tpu.memref_slice %arg9[%dma_start3A_171] : memref<4x!tpu.dma_semaphore, #tpu.memory_space<semaphore_mem>> -> memref<1x!tpu.dma_semaphore, #tpu.memory_space<semaphore_mem>>
        %dma_start3A_179 = tpu.memref_squeeze %dma_start3A_178 : memref<1x!tpu.dma_semaphore, #tpu.memory_space<semaphore_mem>> -> memref<!tpu.dma_semaphore, #tpu.memory_space<semaphore_mem>>
        %dma_start3A_180 = arith.constant 0 : i32
        %dma_start3A_181 = tpu.memref_slice %arg4[%add3A_170, %dma_start3A_180] : memref<819200x64xf32, #tpu.memory_space<hbm>> -> memref<128x64xf32, #tpu.memory_space<hbm>>
        %dma_start3A_182 = arith.constant 0 : i32
        %dma_start3A_183 = arith.constant 0 : i32
        %dma_start3A_184 = tpu.memref_slice %arg7[%dma_start3A, %dma_start3A_182, %dma_start3A_183] : memref<4x128x64xf32, #tpu.memory_space<vmem>> -> memref<1x128x64xf32, #tpu.memory_space<vmem>>
        %dma_start3A_185 = tpu.memref_squeeze %dma_start3A_184 : memref<1x128x64xf32, #tpu.memory_space<vmem>> -> memref<128x64xf32, #tpu.memory_space<vmem>>
        tpu.enqueue_dma source(%dma_start3A_185 : memref<128x64xf32, #tpu.memory_space<vmem>>) target(%dma_start3A_181 : memref<128x64xf32, #tpu.memory_space<hbm>>) target_semaphore(%dma_start3A_179 : memref<!tpu.dma_semaphore, #tpu.memory_space<semaphore_mem>>)
      } else {
      }
      %mul3A_135 = arith.constant 4 : i32
      %mul3A_136 = arith.muli %scan3A_81, %mul3A_135 : i32
      %add3A_137 = arith.constant 3 : i32
      %add3A_138 = arith.addi %mul3A_136, %add3A_137 : i32
      %lt3A_139 = arith.constant 200 : i32
      %lt3A_140 = arith.cmpi slt, %add3A_138, %lt3A_139 : i32
      %convert_element_type3A_141 = arith.extui %lt3A_140 : i1 to i32
      %cond3A_142 = arith.constant 0 : i32
      %cond3A_143 = arith.cmpi ne, %convert_element_type3A_141, %cond3A_142 : i32
      scf.if %cond3A_143 {
        %ge3A_154 = arith.constant 4 : i32
        %ge3A_155 = arith.cmpi sge, %add3A_138, %ge3A_154 : i32
        %convert_element_type3A_156 = arith.extui %ge3A_155 : i1 to i32
        %cond3A_157 = arith.constant 0 : i32
        %cond3A_158 = arith.cmpi ne, %convert_element_type3A_156, %cond3A_157 : i32
        scf.if %cond3A_158 {
          %sub3A_172 = arith.constant 4 : i32
          %sub3A_173 = arith.subi %add3A_138, %sub3A_172 : i32
          %mul3A_174 = arith.constant 128 : i32
          %mul3A_175 = arith.muli %sub3A_173, %mul3A_174 : i32
          %add3A_176 = arith.addi %mul3A_2, %mul3A_175 : i32
          %dma_wait3A_177 = arith.constant 3 : i32
          %dma_wait3A_178 = arith.constant 3 : i32
          %dma_wait3A_179 = arith.constant 0 : i32
          %dma_wait3A_180 = arith.constant 0 : i32
          %dma_wait3A_181 = tpu.memref_slice %arg7[%dma_wait3A_177, %dma_wait3A_179, %dma_wait3A_180] : memref<4x128x64xf32, #tpu.memory_space<vmem>> -> memref<1x128x64xf32, #tpu.memory_space<vmem>>
          %dma_wait3A_182 = tpu.memref_squeeze %dma_wait3A_181 : memref<1x128x64xf32, #tpu.memory_space<vmem>> -> memref<128x64xf32, #tpu.memory_space<vmem>>
          %dma_wait3A_183 = arith.constant 0 : i32
          %dma_wait3A_184 = tpu.memref_slice %arg4[%add3A_176, %dma_wait3A_183] : memref<819200x64xf32, #tpu.memory_space<hbm>> -> memref<128x64xf32, #tpu.memory_space<hbm>>
          %dma_wait3A_185 = tpu.memref_slice %arg9[%dma_wait3A_178] : memref<4x!tpu.dma_semaphore, #tpu.memory_space<semaphore_mem>> -> memref<1x!tpu.dma_semaphore, #tpu.memory_space<semaphore_mem>>
          %dma_wait3A_186 = tpu.memref_squeeze %dma_wait3A_185 : memref<1x!tpu.dma_semaphore, #tpu.memory_space<semaphore_mem>> -> memref<!tpu.dma_semaphore, #tpu.memory_space<semaphore_mem>>
          %dma_wait3A_187 = arith.constant 0 : i32
          %dma_wait3A_188 = tpu.memref_slice %arg4[%add3A_176, %dma_wait3A_187] : memref<819200x64xf32, #tpu.memory_space<hbm>> -> memref<128x64xf32, #tpu.memory_space<hbm>>
          %dma_wait3A_189 = arith.constant 0 : i32
          %dma_wait3A_190 = arith.constant 0 : i32
          %dma_wait3A_191 = tpu.memref_slice %arg7[%dma_wait3A_177, %dma_wait3A_189, %dma_wait3A_190] : memref<4x128x64xf32, #tpu.memory_space<vmem>> -> memref<1x128x64xf32, #tpu.memory_space<vmem>>
          %dma_wait3A_192 = tpu.memref_squeeze %dma_wait3A_191 : memref<1x128x64xf32, #tpu.memory_space<vmem>> -> memref<128x64xf32, #tpu.memory_space<vmem>>
          tpu.wait_dma2 semaphore(%dma_wait3A_186 : memref<!tpu.dma_semaphore, #tpu.memory_space<semaphore_mem>>) src(%dma_wait3A_192 : memref<128x64xf32, #tpu.memory_space<vmem>>) dst(%dma_wait3A_188 : memref<128x64xf32, #tpu.memory_space<hbm>>)
        } else {
        }
        %dma_start3A = arith.constant 3 : i32
        %dma_start3A_159 = arith.constant 3 : i32
        %dma_start3A_160 = arith.constant 0 : i32
        %dma_start3A_161 = arith.constant 0 : i32
        %dma_start3A_162 = tpu.memref_slice %arg7[%dma_start3A, %dma_start3A_160, %dma_start3A_161] : memref<4x128x64xf32, #tpu.memory_space<vmem>> -> memref<1x128x64xf32, #tpu.memory_space<vmem>>
        %dma_start3A_163 = tpu.memref_squeeze %dma_start3A_162 : memref<1x128x64xf32, #tpu.memory_space<vmem>> -> memref<128x64xf32, #tpu.memory_space<vmem>>
        %dma_start3A_164 = arith.constant 0 : i32
        %dma_start3A_165 = tpu.memref_slice %arg6[%add3A_138, %dma_start3A_164] : memref<200x128xi32, #tpu.memory_space<vmem>> -> memref<1x128xi32, #tpu.memory_space<vmem>>
        %dma_start3A_166 = tpu.memref_squeeze %dma_start3A_165 : memref<1x128xi32, #tpu.memory_space<vmem>> -> memref<128xi32, #tpu.memory_space<vmem>>
        %dma_start3A_167 = arith.constant 0 : i32
        %dma_start3A_168 = arith.constant 0 : i32
        %dma_start3A_169 = tpu.memref_slice %arg5[%dma_start3A_167, %dma_start3A_168] : memref<1000x64xf32, #tpu.memory_space<vmem_shared>> -> memref<1000x64xf32, #tpu.memory_space<vmem_shared>>
        %dma_start3A_170 = tpu.memref_slice %arg8[%dma_start3A_159] : memref<4x!tpu.dma_semaphore, #tpu.memory_space<semaphore_mem>> -> memref<1x!tpu.dma_semaphore, #tpu.memory_space<semaphore_mem>>
        %dma_start3A_171 = tpu.memref_squeeze %dma_start3A_170 : memref<1x!tpu.dma_semaphore, #tpu.memory_space<semaphore_mem>> -> memref<!tpu.dma_semaphore, #tpu.memory_space<semaphore_mem>>
        tpu.enqueue_indirect_dma source(%dma_start3A_169 : memref<1000x64xf32, #tpu.memory_space<vmem_shared>>) target(%dma_start3A_163 : memref<128x64xf32, #tpu.memory_space<vmem>>) offsets(%dma_start3A_166 : memref<128xi32, #tpu.memory_space<vmem>>) semaphore(%dma_start3A_171 : memref<!tpu.dma_semaphore, #tpu.memory_space<semaphore_mem>>)
      } else {
      }
      %sub3A_144 = arith.constant 2 : i32
      %sub3A_145 = arith.subi %add3A_138, %sub3A_144 : i32
      %ge3A_146 = arith.constant 0 : i32
      %ge3A_147 = arith.cmpi sge, %sub3A_145, %ge3A_146 : i32
      %lt3A_148 = arith.constant 200 : i32
      %lt3A_149 = arith.cmpi slt, %sub3A_145, %lt3A_148 : i32
      %and3A_150 = arith.andi %ge3A_147, %lt3A_149 : i1
      %convert_element_type3A_151 = arith.extui %and3A_150 : i1 to i32
      %cond3A_152 = arith.constant 0 : i32
      %cond3A_153 = arith.cmpi ne, %convert_element_type3A_151, %cond3A_152 : i32
      scf.if %cond3A_153 {
        %dma_wait3A_154 = arith.constant 1 : i32
        %dma_wait3A_155 = arith.constant 1 : i32
        %dma_wait3A_156 = arith.constant 0 : i32
        %dma_wait3A_157 = arith.constant 0 : i32
        %dma_wait3A_158 = tpu.memref_slice %arg7[%dma_wait3A_154, %dma_wait3A_156, %dma_wait3A_157] : memref<4x128x64xf32, #tpu.memory_space<vmem>> -> memref<1x128x64xf32, #tpu.memory_space<vmem>>
        %dma_wait3A_159 = tpu.memref_squeeze %dma_wait3A_158 : memref<1x128x64xf32, #tpu.memory_space<vmem>> -> memref<128x64xf32, #tpu.memory_space<vmem>>
        %dma_wait3A_160 = arith.constant 0 : i32
        %dma_wait3A_161 = tpu.memref_slice %arg6[%sub3A_145, %dma_wait3A_160] : memref<200x128xi32, #tpu.memory_space<vmem>> -> memref<1x128xi32, #tpu.memory_space<vmem>>
        %dma_wait3A_162 = tpu.memref_squeeze %dma_wait3A_161 : memref<1x128xi32, #tpu.memory_space<vmem>> -> memref<128xi32, #tpu.memory_space<vmem>>
        %dma_wait3A_163 = arith.constant 0 : i32
        %dma_wait3A_164 = arith.constant 0 : i32
        %dma_wait3A_165 = tpu.memref_slice %arg5[%dma_wait3A_163, %dma_wait3A_164] : memref<1000x64xf32, #tpu.memory_space<vmem_shared>> -> memref<1000x64xf32, #tpu.memory_space<vmem_shared>>
        %dma_wait3A_166 = tpu.memref_slice %arg8[%dma_wait3A_155] : memref<4x!tpu.dma_semaphore, #tpu.memory_space<semaphore_mem>> -> memref<1x!tpu.dma_semaphore, #tpu.memory_space<semaphore_mem>>
        %dma_wait3A_167 = tpu.memref_squeeze %dma_wait3A_166 : memref<1x!tpu.dma_semaphore, #tpu.memory_space<semaphore_mem>> -> memref<!tpu.dma_semaphore, #tpu.memory_space<semaphore_mem>>
        tpu.wait_indirect_dma semaphore(%dma_wait3A_167 : memref<!tpu.dma_semaphore, #tpu.memory_space<semaphore_mem>>) src(%dma_wait3A_165 : memref<1000x64xf32, #tpu.memory_space<vmem_shared>>) dst(%dma_wait3A_159 : memref<128x64xf32, #tpu.memory_space<vmem>>)
        %mul3A_168 = arith.constant 128 : i32
        %mul3A_169 = arith.muli %sub3A_145, %mul3A_168 : i32
        %add3A_170 = arith.addi %mul3A_2, %mul3A_169 : i32
        %dma_start3A = arith.constant 1 : i32
        %dma_start3A_171 = arith.constant 1 : i32
        %dma_start3A_172 = arith.constant 0 : i32
        %dma_start3A_173 = arith.constant 0 : i32
        %dma_start3A_174 = tpu.memref_slice %arg7[%dma_start3A, %dma_start3A_172, %dma_start3A_173] : memref<4x128x64xf32, #tpu.memory_space<vmem>> -> memref<1x128x64xf32, #tpu.memory_space<vmem>>
        %dma_start3A_175 = tpu.memref_squeeze %dma_start3A_174 : memref<1x128x64xf32, #tpu.memory_space<vmem>> -> memref<128x64xf32, #tpu.memory_space<vmem>>
        %dma_start3A_176 = arith.constant 0 : i32
        %dma_start3A_177 = tpu.memref_slice %arg4[%add3A_170, %dma_start3A_176] : memref<819200x64xf32, #tpu.memory_space<hbm>> -> memref<128x64xf32, #tpu.memory_space<hbm>>
        %dma_start3A_178 = tpu.memref_slice %arg9[%dma_start3A_171] : memref<4x!tpu.dma_semaphore, #tpu.memory_space<semaphore_mem>> -> memref<1x!tpu.dma_semaphore, #tpu.memory_space<semaphore_mem>>
        %dma_start3A_179 = tpu.memref_squeeze %dma_start3A_178 : memref<1x!tpu.dma_semaphore, #tpu.memory_space<semaphore_mem>> -> memref<!tpu.dma_semaphore, #tpu.memory_space<semaphore_mem>>
        %dma_start3A_180 = arith.constant 0 : i32
        %dma_start3A_181 = tpu.memref_slice %arg4[%add3A_170, %dma_start3A_180] : memref<819200x64xf32, #tpu.memory_space<hbm>> -> memref<128x64xf32, #tpu.memory_space<hbm>>
        %dma_start3A_182 = arith.constant 0 : i32
        %dma_start3A_183 = arith.constant 0 : i32
        %dma_start3A_184 = tpu.memref_slice %arg7[%dma_start3A, %dma_start3A_182, %dma_start3A_183] : memref<4x128x64xf32, #tpu.memory_space<vmem>> -> memref<1x128x64xf32, #tpu.memory_space<vmem>>
        %dma_start3A_185 = tpu.memref_squeeze %dma_start3A_184 : memref<1x128x64xf32, #tpu.memory_space<vmem>> -> memref<128x64xf32, #tpu.memory_space<vmem>>
        tpu.enqueue_dma source(%dma_start3A_185 : memref<128x64xf32, #tpu.memory_space<vmem>>) target(%dma_start3A_181 : memref<128x64xf32, #tpu.memory_space<hbm>>) target_semaphore(%dma_start3A_179 : memref<!tpu.dma_semaphore, #tpu.memory_space<semaphore_mem>>)
      } else {
      }
    }
    %scan3A_9 = arith.constant 51 : i32
    %add3A_10 = arith.constant 25088 : i32
    %add3A_11 = arith.addi %mul3A_2, %add3A_10 : i32
    %dma_wait3A = arith.constant 0 : i32
    %dma_wait3A_12 = arith.constant 0 : i32
    %dma_wait3A_13 = arith.constant 0 : i32
    %dma_wait3A_14 = arith.constant 0 : i32
    %dma_wait3A_15 = tpu.memref_slice %arg7[%dma_wait3A, %dma_wait3A_13, %dma_wait3A_14] : memref<4x128x64xf32, #tpu.memory_space<vmem>> -> memref<1x128x64xf32, #tpu.memory_space<vmem>>
    %dma_wait3A_16 = tpu.memref_squeeze %dma_wait3A_15 : memref<1x128x64xf32, #tpu.memory_space<vmem>> -> memref<128x64xf32, #tpu.memory_space<vmem>>
    %dma_wait3A_17 = arith.constant 0 : i32
    %dma_wait3A_18 = tpu.memref_slice %arg4[%add3A_11, %dma_wait3A_17] : memref<819200x64xf32, #tpu.memory_space<hbm>> -> memref<128x64xf32, #tpu.memory_space<hbm>>
    %dma_wait3A_19 = tpu.memref_slice %arg9[%dma_wait3A_12] : memref<4x!tpu.dma_semaphore, #tpu.memory_space<semaphore_mem>> -> memref<1x!tpu.dma_semaphore, #tpu.memory_space<semaphore_mem>>
    %dma_wait3A_20 = tpu.memref_squeeze %dma_wait3A_19 : memref<1x!tpu.dma_semaphore, #tpu.memory_space<semaphore_mem>> -> memref<!tpu.dma_semaphore, #tpu.memory_space<semaphore_mem>>
    %dma_wait3A_21 = arith.constant 0 : i32
    %dma_wait3A_22 = tpu.memref_slice %arg4[%add3A_11, %dma_wait3A_21] : memref<819200x64xf32, #tpu.memory_space<hbm>> -> memref<128x64xf32, #tpu.memory_space<hbm>>
    %dma_wait3A_23 = arith.constant 0 : i32
    %dma_wait3A_24 = arith.constant 0 : i32
    %dma_wait3A_25 = tpu.memref_slice %arg7[%dma_wait3A, %dma_wait3A_23, %dma_wait3A_24] : memref<4x128x64xf32, #tpu.memory_space<vmem>> -> memref<1x128x64xf32, #tpu.memory_space<vmem>>
    %dma_wait3A_26 = tpu.memref_squeeze %dma_wait3A_25 : memref<1x128x64xf32, #tpu.memory_space<vmem>> -> memref<128x64xf32, #tpu.memory_space<vmem>>
    tpu.wait_dma2 semaphore(%dma_wait3A_20 : memref<!tpu.dma_semaphore, #tpu.memory_space<semaphore_mem>>) src(%dma_wait3A_26 : memref<128x64xf32, #tpu.memory_space<vmem>>) dst(%dma_wait3A_22 : memref<128x64xf32, #tpu.memory_space<hbm>>)
    %add3A_27 = arith.constant 25216 : i32
    %add3A_28 = arith.addi %mul3A_2, %add3A_27 : i32
    %dma_wait3A_29 = arith.constant 1 : i32
    %dma_wait3A_30 = arith.constant 1 : i32
    %dma_wait3A_31 = arith.constant 0 : i32
    %dma_wait3A_32 = arith.constant 0 : i32
    %dma_wait3A_33 = tpu.memref_slice %arg7[%dma_wait3A_29, %dma_wait3A_31, %dma_wait3A_32] : memref<4x128x64xf32, #tpu.memory_space<vmem>> -> memref<1x128x64xf32, #tpu.memory_space<vmem>>
    %dma_wait3A_34 = tpu.memref_squeeze %dma_wait3A_33 : memref<1x128x64xf32, #tpu.memory_space<vmem>> -> memref<128x64xf32, #tpu.memory_space<vmem>>
    %dma_wait3A_35 = arith.constant 0 : i32
    %dma_wait3A_36 = tpu.memref_slice %arg4[%add3A_28, %dma_wait3A_35] : memref<819200x64xf32, #tpu.memory_space<hbm>> -> memref<128x64xf32, #tpu.memory_space<hbm>>
    %dma_wait3A_37 = tpu.memref_slice %arg9[%dma_wait3A_30] : memref<4x!tpu.dma_semaphore, #tpu.memory_space<semaphore_mem>> -> memref<1x!tpu.dma_semaphore, #tpu.memory_space<semaphore_mem>>
    %dma_wait3A_38 = tpu.memref_squeeze %dma_wait3A_37 : memref<1x!tpu.dma_semaphore, #tpu.memory_space<semaphore_mem>> -> memref<!tpu.dma_semaphore, #tpu.memory_space<semaphore_mem>>
    %dma_wait3A_39 = arith.constant 0 : i32
    %dma_wait3A_40 = tpu.memref_slice %arg4[%add3A_28, %dma_wait3A_39] : memref<819200x64xf32, #tpu.memory_space<hbm>> -> memref<128x64xf32, #tpu.memory_space<hbm>>
    %dma_wait3A_41 = arith.constant 0 : i32
    %dma_wait3A_42 = arith.constant 0 : i32
    %dma_wait3A_43 = tpu.memref_slice %arg7[%dma_wait3A_29, %dma_wait3A_41, %dma_wait3A_42] : memref<4x128x64xf32, #tpu.memory_space<vmem>> -> memref<1x128x64xf32, #tpu.memory_space<vmem>>
    %dma_wait3A_44 = tpu.memref_squeeze %dma_wait3A_43 : memref<1x128x64xf32, #tpu.memory_space<vmem>> -> memref<128x64xf32, #tpu.memory_space<vmem>>
    tpu.wait_dma2 semaphore(%dma_wait3A_38 : memref<!tpu.dma_semaphore, #tpu.memory_space<semaphore_mem>>) src(%dma_wait3A_44 : memref<128x64xf32, #tpu.memory_space<vmem>>) dst(%dma_wait3A_40 : memref<128x64xf32, #tpu.memory_space<hbm>>)
    %add3A_45 = arith.constant 25344 : i32
    %add3A_46 = arith.addi %mul3A_2, %add3A_45 : i32
    %dma_wait3A_47 = arith.constant 2 : i32
    %dma_wait3A_48 = arith.constant 2 : i32
    %dma_wait3A_49 = arith.constant 0 : i32
    %dma_wait3A_50 = arith.constant 0 : i32
    %dma_wait3A_51 = tpu.memref_slice %arg7[%dma_wait3A_47, %dma_wait3A_49, %dma_wait3A_50] : memref<4x128x64xf32, #tpu.memory_space<vmem>> -> memref<1x128x64xf32, #tpu.memory_space<vmem>>
    %dma_wait3A_52 = tpu.memref_squeeze %dma_wait3A_51 : memref<1x128x64xf32, #tpu.memory_space<vmem>> -> memref<128x64xf32, #tpu.memory_space<vmem>>
    %dma_wait3A_53 = arith.constant 0 : i32
    %dma_wait3A_54 = tpu.memref_slice %arg4[%add3A_46, %dma_wait3A_53] : memref<819200x64xf32, #tpu.memory_space<hbm>> -> memref<128x64xf32, #tpu.memory_space<hbm>>
    %dma_wait3A_55 = tpu.memref_slice %arg9[%dma_wait3A_48] : memref<4x!tpu.dma_semaphore, #tpu.memory_space<semaphore_mem>> -> memref<1x!tpu.dma_semaphore, #tpu.memory_space<semaphore_mem>>
    %dma_wait3A_56 = tpu.memref_squeeze %dma_wait3A_55 : memref<1x!tpu.dma_semaphore, #tpu.memory_space<semaphore_mem>> -> memref<!tpu.dma_semaphore, #tpu.memory_space<semaphore_mem>>
    %dma_wait3A_57 = arith.constant 0 : i32
    %dma_wait3A_58 = tpu.memref_slice %arg4[%add3A_46, %dma_wait3A_57] : memref<819200x64xf32, #tpu.memory_space<hbm>> -> memref<128x64xf32, #tpu.memory_space<hbm>>
    %dma_wait3A_59 = arith.constant 0 : i32
    %dma_wait3A_60 = arith.constant 0 : i32
    %dma_wait3A_61 = tpu.memref_slice %arg7[%dma_wait3A_47, %dma_wait3A_59, %dma_wait3A_60] : memref<4x128x64xf32, #tpu.memory_space<vmem>> -> memref<1x128x64xf32, #tpu.memory_space<vmem>>
    %dma_wait3A_62 = tpu.memref_squeeze %dma_wait3A_61 : memref<1x128x64xf32, #tpu.memory_space<vmem>> -> memref<128x64xf32, #tpu.memory_space<vmem>>
    tpu.wait_dma2 semaphore(%dma_wait3A_56 : memref<!tpu.dma_semaphore, #tpu.memory_space<semaphore_mem>>) src(%dma_wait3A_62 : memref<128x64xf32, #tpu.memory_space<vmem>>) dst(%dma_wait3A_58 : memref<128x64xf32, #tpu.memory_space<hbm>>)
    %add3A_63 = arith.constant 25472 : i32
    %add3A_64 = arith.addi %mul3A_2, %add3A_63 : i32
    %dma_wait3A_65 = arith.constant 3 : i32
    %dma_wait3A_66 = arith.constant 3 : i32
    %dma_wait3A_67 = arith.constant 0 : i32
    %dma_wait3A_68 = arith.constant 0 : i32
    %dma_wait3A_69 = tpu.memref_slice %arg7[%dma_wait3A_65, %dma_wait3A_67, %dma_wait3A_68] : memref<4x128x64xf32, #tpu.memory_space<vmem>> -> memref<1x128x64xf32, #tpu.memory_space<vmem>>
    %dma_wait3A_70 = tpu.memref_squeeze %dma_wait3A_69 : memref<1x128x64xf32, #tpu.memory_space<vmem>> -> memref<128x64xf32, #tpu.memory_space<vmem>>
    %dma_wait3A_71 = arith.constant 0 : i32
    %dma_wait3A_72 = tpu.memref_slice %arg4[%add3A_64, %dma_wait3A_71] : memref<819200x64xf32, #tpu.memory_space<hbm>> -> memref<128x64xf32, #tpu.memory_space<hbm>>
    %dma_wait3A_73 = tpu.memref_slice %arg9[%dma_wait3A_66] : memref<4x!tpu.dma_semaphore, #tpu.memory_space<semaphore_mem>> -> memref<1x!tpu.dma_semaphore, #tpu.memory_space<semaphore_mem>>
    %dma_wait3A_74 = tpu.memref_squeeze %dma_wait3A_73 : memref<1x!tpu.dma_semaphore, #tpu.memory_space<semaphore_mem>> -> memref<!tpu.dma_semaphore, #tpu.memory_space<semaphore_mem>>
    %dma_wait3A_75 = arith.constant 0 : i32
    %dma_wait3A_76 = tpu.memref_slice %arg4[%add3A_64, %dma_wait3A_75] : memref<819200x64xf32, #tpu.memory_space<hbm>> -> memref<128x64xf32, #tpu.memory_space<hbm>>
    %dma_wait3A_77 = arith.constant 0 : i32
    %dma_wait3A_78 = arith.constant 0 : i32
    %dma_wait3A_79 = tpu.memref_slice %arg7[%dma_wait3A_65, %dma_wait3A_77, %dma_wait3A_78] : memref<4x128x64xf32, #tpu.memory_space<vmem>> -> memref<1x128x64xf32, #tpu.memory_space<vmem>>
    %dma_wait3A_80 = tpu.memref_squeeze %dma_wait3A_79 : memref<1x128x64xf32, #tpu.memory_space<vmem>> -> memref<128x64xf32, #tpu.memory_space<vmem>>
    tpu.wait_dma2 semaphore(%dma_wait3A_74 : memref<!tpu.dma_semaphore, #tpu.memory_space<semaphore_mem>>) src(%dma_wait3A_80 : memref<128x64xf32, #tpu.memory_space<vmem>>) dst(%dma_wait3A_76 : memref<128x64xf32, #tpu.memory_space<hbm>>)
    return
  }
}

</mosaic_0001>

<sc_bundles>
// kernel: kernel.3.cloned.1.call-start
scs
__scs_entry_jumppad:
0x0: {  	(pc) =	sbr.rel $0x88, $3  }
0x1: {  	(tag) =	ssettag $0x0;
	lr =	simm.s32 $0x1  }
0x2: {  	[smem:$0x3F9F] =	sst lr;
	_ =	strace $0xD0000000  }
0x3: {  	_ = 	snop  }
0x4: {  	_ = 	snop  }
0x5: {  	_ = 	snop  }
0x6: {  	_ = 	snop  }
0x7: {  	_ = 	snop  }
__scs_overlays_trampoline_lowered:
0x8: {  	[smem:$0x3FAE] =	sst s0  }
0x9: {  	[smem:$0x3FAF] =	sst s1  }
0xa: {  	[smem:$0x3FB0] =	sst s2  }
0xb: {  	[smem:$0x3FB1] =	sst s3  }
0xc: {  	[smem:$0x3FB2] =	sst s4  }
0xd: {  	[smem:$0x3FB3] =	sst s5  }
0xe: {  	[smem:$0x3FB4] =	sst s6  }
0xf: {  	[smem:$0x3FB5] =	sst s7  }
0x10: {  	[smem:$0x3FB6] =	sst s8  }
0x11: {  	[smem:$0x3FB7] =	sst s9;
	s0 =	simm.s32 @!p0 $0x0  }
0x12: {  	s1 =	sld [smem:$0x3F9D];
	s0 =	simm.s32 @p0 $0x1  }
0x13: {  	[smem:$0x3FB8] =	sst s0;
	s0 =	simm.s32 @!p1 $0x0  }
0x14: {  	s2 =	sld [smem:$0x3F9C];
	s0 =	simm.s32 @p1 $0x1  }
0x15: {  	[smem:$0x3FB9] =	sst s0;
	s0 =	simm.s32 @!p2 $0x0  }
0x16: {  	s3 =	sld [smem:$0x3FDB];
	s0 =	simm.s32 @p2 $0x1  }
0x17: {  	s4 =	simm.s32 $0x1BF5;
	[smem:$0x3FBB] =	sst s0  }
0x18: {  	s0 =	sld [smem:$0x3F9E];
	_ =	swait.ge [sflag:s4], $0x0  }
0x19: {  	s7 =	sld [smem:$0x3F9F]  }
0x1a: {  	s8 =	sadd.s32 $0xFFFFE003, lr  }
0x1b: {  	s9 =	sadd.s32 $0xFFFFFEF7, lr;
	s5 =	simm.s32 $0xFFFFFFFF;
	p2 =	slt.u32 s8, $0xFFFFF086  }
0x1c: {  	p1 =	slt.u32 s9, $0xF7A;
	s5 =	simm.s32 @!p2 $0x0  }
0x1d: {  	s5 =	simm.s32 @p1 $0x1;
	p0 =	seq.s32 s7, s2  }
0x1e: {  	s7 =	smul.u32 @!p0 $0xF7A, s2;
	p2 =	seq.s32 @!p0 s5, $0x0  }
0x1f: {  	s9 =	smul.u32 $0xF7A, s1;
	s8 =	simm.s32 @!p0 $0x1BF5;
	p2 =	por !p2, p0  }
0x20: {  	[sflag:s8] =	ssyncset.s32 @!p0 $0xFFFFF086;
	s6 =	sadd.s32 @!p0 s3, s7;
	s7 =	simm.s32 @!p0 $0x108  }
0x21: {  	s3 =	sadd.s32 s3, s9;
	s6 =	sadd.s32 @!p0 $0x88, s6;
	s7 =	simm.s32 @p2 $0x1082  }
0x22: {  	[simem:s7], [sflag:s8] =	dma.local @!p0 [hbm:s6], $0xF7A  }
0x23: {  	s9 =	sor.u32 $0xD0000000, s2;
	s6 =	simm.s32 $0x108;
	_ =	swait.ge @!p0 [sflag:s8], $0x0  }
0x24: {  	s3 =	sadd.s32 $0x88, s3;
	s6 =	simm.s32 @!p1 $0x1082;
	[sflag:s4] =	ssyncset.s32 $0xFFFFF086  }
0x25: {  	[simem:s6], [sflag:s4] =	dma.local [hbm:s3], $0xF7A  }
0x26: {  	[smem:$0x3F9F] =	sst s1;
	(tag) =	ssettag s2;
	_ =	strace s9  }
0x27: {  	s1 =	sld [smem:$0x3FAF]  }
0x28: {  	s2 =	sld [smem:$0x3FB0]  }
0x29: {  	s4 =	sld [smem:$0x3FB2]  }
0x2a: {  	p0 =	seq.s32 s5, $0x0;
	s5 =	sld [smem:$0x3FB3]  }
0x2b: {  	s6 =	sld [smem:$0x3FB4]  }
0x2c: {  	s7 =	sld [smem:$0x3FB5]  }
0x2d: {  	s3 =	simm.s32 $0x108;
	s8 =	sld [smem:$0x3FB6]  }
0x2e: {  	s3 =	simm.s32 @!p0 $0x1082;
	s9 =	sld [smem:$0x3FB7]  }
0x2f: {  	lr =	sadd.s32 s0, s3;
	s0 =	sld [smem:$0x3FAE]  }
0x30: {  	s3 =	sld [smem:$0x3FB1]  }
0x31: {  	[smem:$0x3FBA] =	sst s10  }
0x32: {  	s10 =	sld [smem:$0x3FB8];
	_ =	sdelay $0x3  }
0x33: {  	p0 =	seq.s32 s10, $0x1;
	s10 =	sld [smem:$0x3FBA];
	_ =	sdelay $0x3  }
0x34: {  	[smem:$0x3FBA] =	sst s10  }
0x35: {  	s10 =	sld [smem:$0x3FB9];
	_ =	sdelay $0x3  }
0x36: {  	p1 =	seq.s32 s10, $0x1;
	s10 =	sld [smem:$0x3FBA];
	_ =	sdelay $0x3  }
0x37: {  	[smem:$0x3FBA] =	sst s10  }
0x38: {  	s10 =	sld [smem:$0x3FBB]  }
0x39: {  	_ = 	snop;
	(pc) =	sbr.ind lr, $3  }
0x3a: {  	_ = 	snop  }
0x3b: {  	_ = 	snop  }
0x3c: {  	p2 =	seq.s32 s10, $0x1;
	s10 =	sld [smem:$0x3FBA]  }
0x3d: {  	_ =	shalt  }
0x3e: {  	_ =	shalt  }
0x3f: {  	_ =	shalt  }
0x40: {  	_ =	shalt  }
0x41: {  	_ =	shalt  }
0x42: {  	_ =	shalt  }
0x43: {  	_ =	shalt  }
0x44: {  	_ =	shalt  }
0x45: {  	_ =	shalt  }
0x46: {  	_ =	shalt  }
0x47: {  	_ =	shalt  }
0x48: {  	_ =	shalt  }
0x49: {  	_ =	shalt  }
0x4a: {  	_ =	shalt  }
0x4b: {  	_ =	shalt  }
0x4c: {  	_ =	shalt  }
0x4d: {  	_ =	shalt  }
0x4e: {  	_ =	shalt  }
0x4f: {  	_ =	shalt  }
0x50: {  	_ =	shalt  }
0x51: {  	_ =	shalt  }
0x52: {  	_ =	shalt  }
0x53: {  	_ =	shalt  }
0x54: {  	_ =	shalt  }
0x55: {  	_ =	shalt  }
0x56: {  	_ =	shalt  }
0x57: {  	_ =	shalt  }
0x58: {  	_ =	shalt  }
0x59: {  	_ =	shalt  }
0x5a: {  	_ =	shalt  }
0x5b: {  	_ =	shalt  }
0x5c: {  	_ =	shalt  }
0x5d: {  	_ =	shalt  }
0x5e: {  	_ =	shalt  }
0x5f: {  	_ =	shalt  }
0x60: {  	_ =	shalt  }
0x61: {  	_ =	shalt  }
0x62: {  	_ =	shalt  }
0x63: {  	_ =	shalt  }
0x64: {  	_ =	shalt  }
0x65: {  	_ =	shalt  }
0x66: {  	_ =	shalt  }
0x67: {  	_ =	shalt  }
0x68: {  	_ =	shalt  }
0x69: {  	_ =	shalt  }
0x6a: {  	_ =	shalt  }
0x6b: {  	_ =	shalt  }
0x6c: {  	_ =	shalt  }
0x6d: {  	_ =	shalt  }
0x6e: {  	_ =	shalt  }
0x6f: {  	_ =	shalt  }
0x70: {  	_ =	shalt  }
0x71: {  	_ =	shalt  }
0x72: {  	_ =	shalt  }
0x73: {  	_ =	shalt  }
0x74: {  	_ =	shalt  }
0x75: {  	_ =	shalt  }
0x76: {  	_ =	shalt  }
0x77: {  	_ =	shalt  }
0x78: {  	_ =	shalt  }
0x79: {  	_ =	shalt  }
0x7a: {  	_ =	shalt  }
0x7b: {  	_ =	shalt  }
0x7c: {  	_ =	shalt  }
0x7d: {  	_ =	shalt  }
0x7e: {  	_ =	shalt  }
0x7f: {  	_ =	shalt  }
0x80: {  	_ =	shalt  }
0x81: {  	_ =	shalt  }
0x82: {  	_ =	shalt  }
0x83: {  	_ =	shalt  }
0x84: {  	_ =	shalt  }
0x85: {  	_ =	shalt  }
0x86: {  	_ =	shalt  }
0x87: {  	_ =	shalt  }
.Lfunc_end0:
.L_simem_size_0:
called_computation.1_lowered:
.L_overlay_start_0:
0x88: {  	s2 =	sld [smem:$0x3FD9]  }
0x89: {  	s3 =	sld [smem:$0x3FFE];
	_ =	sdelay $0x1  }
0x8a: {  	s1 =	srdreg.scid  }
0x8b: {  	s0 =	sand.u32 $0x1, s1  }
0x8c: {  	s17 =	sshll.u32 s0, $0xA;
	s2 =	sadd.s32 s3, s2  }
0x8d: {  	s2 =	sadd.s32 s2, s17  }
0x8e: {  	[smem:$0x3FC6] =	sst s2  }
0x8f: {  	_ = 	snop  }
0x90: {  	s2 =	sld [smem:$0x3FD0];
	(tm) =	ssettm $0x1  }
0x91: {  	s18 =	sld [smem:$0x3FFB];
	_ =	sdelay $0x3  }
0x92: {  	_ =	strace s18  }
0x93: {  	s3 =	sld [smem:$0x3FFC];
	_ =	sdelay $0x3  }
0x94: {  	_ =	strace s3  }
0x95: {  	s3 =	sld [smem:$0x3FFD];
	_ =	sdelay $0x3  }
0x96: {  	_ =	strace s3  }
0x97: {  	_ =	strace $0x8FFFFFFF  }
0x98: {  	s19 =	sld [smem:$0x3FDB];
	_ =	sdelay $0x1  }
0x99: {  	s4 =	simm.s32 $_scs_section_size  }
0x9a: {  	s5 =	simm.s32 $_size__tile_overlayer_lowered;
	s6 =	simm.s32 $_tile_overlayer_lowered  }
0x9b: {  	s22 =	simm.s32 $0x1BFF;
	s21 =	sshll.u32 s6, $0x1;
	s3 =	sadd.s32 s4, s19  }
0x9c: {  	s7 =	simm.s32 $0x0;
	s20 =	sshll.u32 s5, $0x1;
	s5 =	sadd.s32 s21, s3  }
0x9d: {  	[timem:s7], [sflag:s22] =	dma.local [hbm:s5], s20  }
0x9e: {  	_ =	swait.ge [sflag:s22], s20  }
0x9f: {  	s4 =	ssub.s32 $0x0, s20;
	[sflag:s22] =	ssyncset.done $0x0  }
0xa0: {  	[sflag:s22] =	ssyncadd.s32 s4;
	_ =	sdelay $0x1  }
0xa1: {  	s23 =	simm.s32 $0x1B8B  }
0xa2: {  	_ =	swait.ge [sflag:s23], $0x1  }
0xa3: {  	[sflag:s23] =	ssyncset.done $0x0  }
0xa4: {  	s25 =	simm.s32 $0x1B8E;
	s24 =	sld [smem:$0x3FFE];
	[sflag:s23] =	ssyncadd.s32 $0xFFFFFFFF  }
0xa5: {  	s26 =	simm.s32 $execute0_lowered;
	[smem:$0x3FD2] =	sst s25  }
0xa6: {  	s5 =	sshll.u32 s26, $0x1;
	_ =	strace $0x80000046;
	[dreg:$0x1] =	wrdreg $0xFFFFFFFF  }
0xa7: {  	s28 =	simm.s32 $_size_execute0_lowered;
	s3 =	sadd.s32 s3, s5;
	[dreg:$0x0] =	wrdreg $0x0  }
0xa8: {  	s5 =	sshll.u32 s28, $0x1;
	[dreg:$0x2] =	wrdreg s3  }
0xa9: {  	[dreg:$0x3] =	wrdreg s5  }
0xaa: {  	[dreg:$0x4] =	wrdreg $0xC0  }
0xab: {  	_ =	task [dreg:s7], $0x5FFFF  }
0xac: {  	[dreg:$0x1] =	wrdreg $0xFFFFFFFF  }
0xad: {  	[dreg:$0x0] =	wrdreg $0x60  }
0xae: {  	[dreg:$0x2] =	wrdreg s24  }
0xaf: {  	[dreg:$0x3] =	wrdreg s2  }
0xb0: {  	[dreg:$0x4] =	wrdreg $0x0  }
0xb1: {  	[dreg:$0x5] =	wrdreg $0x9  }
0xb2: {  	_ =	task.clear_ibuf [dreg:s7], $0x6FFFF;
	_ =	strace $0x90000046  }
0xb3: {  	s29 =	simm.s32 $0x9;
	_ =	strace $0x80000048  }
0xb4: {  	_ =	swait.ge [sflag:s29], $0x1  }
0xb5: {  	[sflag:s29] =	ssyncadd.s32 $0xFFFFFFFF  }
0xb6: {  	_ =	strace $0x90000048  }
0xb7: {  	_ =	sfence  }
0xb8: {  	s30 =	sld [smem:$0x0];
	_ =	sdelay $0x2  }
0xb9: {  	s31 =	sshll.u32 s1, $0xD;
	s1 =	sshrl.u32 s1, $0x2  }
0xba: {  	s3 =	sand.u32 $0x4000, s31;
	s1 =	sadd.s32 s1, s30  }
0xbb: {  	s0 =	sor.u32 s3, s0;
	s1 =	sshll.u32 s1, $0x11  }
0xbc: {  	s0 =	sor.u32 s1, s0  }
0xbd: {  	s0 =	sadd.s32 $0x8F2B, s0  }
0xbe: {  	[sflag:s0] =	ssyncadd.remote.s32 $0x1  }
0xbf: {  	_ =	sfence.sel $0xFFFF  }
0xc0: {  	[dreg:$0x0] =	wrdreg $0xFFFFFFFF;
	(pc) =	sbr.abs _section_cstart, $3  }
0xc1: {  	[dreg:$0x1] =	wrdreg $0xFFFFFFFF  }
0xc2: {  	_ =	task.clear_ibuf [dreg:s7], $0x2FFFF;
	_ =	strace $0x9FFFFFFF  }
0xc3: {  	(tm) =	ssettm $0x7FFFFFFF  }
tec
execute0_lowered:
.L_overlay_start_1:
0x0: {  	(tag) =	ssettag $0x1  }
0x1: {  	s0 =	srdreg.scid;
	s4 =	rddreg [dreg:$0x0]  }
0x2: {  	s9 =	stileid.u32;
	s1 =	rddreg [dreg:$0x1];
	s3 =	simm.s32 $0x0  }
0x3: {  	s11 =	simm.s32 $0x9;
	s12 =	simm.s32 $0x3;
	s13 =	simm.s32 $0xB3A0  }
0x4: {  	s14 =	simm.s32 $0x4;
	s15 =	simm.s32 $0xD3A0;
	s16 =	simm.s32 $0x7  }
0x5: {  	s17 =	simm.s32 $0x80;
	s18 =	simm.s32 $0x5;
	s19 =	simm.s32 $0x6  }
0x6: {  	s20 =	simm.s32 $0x8;
	s21 =	simm.s32 $0x2;
	s22 =	simm.s32 $0x93A0  }
0x7: {  	s23 =	simm.s32 $0x1;
	s24 =	simm.s32 $0x73A0;
	s25 =	simm.s32 $0x1020  }
0x8: {  	s0 =	sand.u32 $0x1, s0;
	s2 =	sshll.u32 s9, $0x1;
	s7 =	smul.u32 $0x320000, s9  }
0x9: {  	s6 =	sor.u32 s0, s2;
	s8 =	ssub.s32 $0x2, s0;
	s0 =	smul.u32 $0x190000, s0  }
0xa: {  	s26 =	simm.s32 $0x0;
	[smem:$0x7FF] =	sst s3;
	s5 =	smul.u32 $0xC80, s6  }
0xb: {  	p0 =	sne.s32 s9, $0x0;
	s2 =	rddreg [dreg:$0x2];
	s6 =	smul.u32 $0x190000, s6  }
.Ltmp0:
0xc: {  	_ =	strace $0x80000047;
	s10 =	sshrl.u32 s8, $0x1;
	(pc) =	sbr.rel .LBB2_1-.Ltmp0, $4  }
0xd: {  	s9 =	sshrl.u32 @!p0 s2, $0x3;
	s8 =	ssub.s32 s8, s10;
	s0 =	sadd.s32 s0, s7  }
0xe: {  	s10 =	simm.s32 $0xFA0;
	s5 =	sadd.s32 s5, s4;
	s4 =	sadd.s32 $0x800, s4  }
0xf: {  	s0 =	sshrl.u32 s0, $0x3;
	[dreg:$0x4] =	wrdreg s4;
	s31 =	sadd.s32 $0x2800, s5  }
0x10: {  	s7 =	smax.u32 s8, $0x1;
	s8 =	sadd.s32 s0, s1;
	[dreg:$0x5] =	wrdreg s31  }
.LBB2_16:
0x11: {  	_ =	swait.ge [sflag:s18], $0x2000  }
0x12: {  	[sflag:s18] =	ssyncset.done $0x0  }
0x13: {  	[sflag:s18] =	ssyncadd.s32 $0xFFFFE000  }
0x14: {  	_ =	swait.ge [sflag:s19], $0x2000  }
0x15: {  	[sflag:s19] =	ssyncset.done $0x0  }
0x16: {  	s26 =	sadd.s32 $0x1, s26;
	[sflag:s19] =	ssyncadd.s32 $0xFFFFE000  }
0x17: {  	p1 =	sne.s32 s26, s7;
	_ =	swait.ge [sflag:s16], $0x2000  }
.Ltmp1:
0x18: {  	[sflag:s16] =	ssyncset.done $0x0;
	(pc) =	sbr.rel @!p1 .LBB2_17-.Ltmp1, $4  }
0x19: {  	[sflag:s16] =	ssyncadd.s32 $0xFFFFE000  }
0x1a: {  	_ =	swait.ge [sflag:s20], $0x2000  }
0x1b: {  	[sflag:s20] =	ssyncset.done $0x0  }
0x1c: {  	[sflag:s20] =	ssyncadd.s32 $0xFFFFE000  }
.LBB2_1:
0x1d: {  	s0 =	simm.s32 @!p0 $0x1C09;
	s4 =	rddreg [dreg:$0x4]  }
0x1e: {  	[spmem:s9], [sflag:s0] =	dma.local @!p0 [hbm:s4], $0x1F40  }
0x1f: {  	s0 =	simm.s32 @!p0 $0x9  }
0x20: {  	_ =	swait.ge @!p0 [sflag:s0], $0x1F40  }
0x21: {  	[sflag:s0] =	ssyncset.done @!p0 $0x0  }
0x22: {  	s5 =	rddreg [dreg:$0x5];
	[sflag:s0] =	ssyncadd.s32 @!p0 $0xFFFFE0C0  }
0x23: {  	[tilespmem:s10], [sflag:$0x9] =	stream.linear.gather [hbm4b:s5+s3], $0x6400, $0x38;
	[tilespmem:$0xF3A0] =	vst v63  }
.Ltmp2:
0x24: {  	_ =	swait.ge [sflag:s11], $0x6400;
	(pc) =	sbr.rel .LBB2_2-.Ltmp2, $4  }
0x25: {  	[sflag:s11] =	ssyncset.done $0x0  }
0x26: {  	[sflag:s11] =	ssyncadd.s32 $0xFFFF9C00  }
0x27: {  	s28 =	simm.s32 $0x1;
	[bflag:$0x0] =	sbarrier.arrive $0xFFFF  }
0x28: {  	s29 =	smov.u32 s8;
	s30 =	simm.s32 $0x0;
	s31 =	simm.s32 $0x0  }
.LBB2_13:
.Ltmp3:
0x29: {  	(pc) =	sbr.rel @p2 .LBB2_16-.Ltmp3, $2  }
0x2a: {  	_ =	sdelay $0x2  }
0x2b: {  	s0 =	smov.u32 s28  }
.LBB2_14:
0x2c: {  	s0 =	sshll.u32 s0, $0xD  }
0x2d: {  	_ =	swait.ge [sflag:s21], $0x2000;
	s0 =	sadd.s32 s6, s0  }
0x2e: {  	[sflag:s21] =	ssyncset.done $0x0;
	s0 =	sshrl.u32 s0, $0x3  }
0x2f: {  	[sflag:s21] =	ssyncadd.s32 $0xFFFFE000;
	s0 =	sadd.s32 s1, s0  }
0x30: {  	[hbm4b:s0+s3] =	stream.linear.scatter [tilespmem:s22], [sflag:$0x6], $0x2000, $0x38;
	[tilespmem:$0xF3A0] =	vst v63  }
.LBB2_15:
0x31: {  	s30 =	sadd.s32 $0x800, s30  }
0x32: {  	p1 =	sne.s32 s30, $0x19800  }
.Ltmp4:
0x33: {  	_ = 	snop;
	(pc) =	sbr.rel @!p1 .LBB2_16-.Ltmp4, $2  }
0x34: {  	_ =	sdelay $0x2  }
0x35: {  	s31 =	sadd.s32 $0x1, s31;
	s29 =	sadd.s32 $0x1000, s29;
	s28 =	sadd.s32 $0x4, s28  }
.LBB2_2:
0x36: {  	p1 =	seq.s32 s31, $0x32  }
.Ltmp5:
0x37: {  	_ = 	snop;
	(pc) =	sbr.rel @p1 .LBB2_3-.Ltmp5, $1  }
0x38: {  	_ =	sdelay $0x3  }
0x39: {  	p1 =	sne.s32 s31, $0x0  }
.Ltmp6:
0x3a: {  	_ = 	snop;
	(pc) =	sbr.rel @p1 .LBB2_6-.Ltmp6, $1  }
0x3b: {  	_ =	sdelay $0x3  }
0x3c: {  	[tilespmem:s24], [sflag:$0x1] =	stream.indirect.gather [spmem:s2], $0x40, s10, s17, $0xb8;
	[tilespmem:$0xF3A0] =	vst v63  }
.Ltmp7:
0x3d: {  	s0 =	sshra.s32 s30, $0x2;
	(pc) =	sbr.rel .LBB2_12-.Ltmp7, $4  }
0x3e: {  	[tilespmem:s22], [sflag:$0x2] =	stream.indirect.gather [spmem:s2], $0x40, s25, s17, $0xb8;
	[tilespmem:$0xF3A0] =	vst v63  }
0x3f: {  	s0 =	sadd.s32 $0x10A0, s0  }
0x40: {  	[tilespmem:s13], [sflag:$0x3] =	stream.indirect.gather [spmem:s2], $0x40, s0, s17, $0xb8;
	[tilespmem:$0xF3A0] =	vst v63  }
0x41: {  	s0 =	simm.s32 $0x1  }
.LBB2_3:
.Ltmp8:
0x42: {  	(pc) =	sbr.rel .LBB2_7-.Ltmp8, $2  }
0x43: {  	_ =	sdelay $0x2  }
0x44: {  	s0 =	simm.s32 $0xC6  }
.LBB2_6:
0x45: {  	_ =	swait.ge [sflag:s18], $0x2000  }
0x46: {  	s0 =	sshra.s32 s30, $0x2;
	[sflag:s18] =	ssyncset.done $0x0  }
0x47: {  	s0 =	sadd.s32 $0xFA0, s0;
	[sflag:s18] =	ssyncadd.s32 $0xFFFFE000  }
0x48: {  	[tilespmem:s24], [sflag:$0x1] =	stream.indirect.gather [spmem:s2], $0x40, s0, s17, $0xb8;
	[tilespmem:$0xF3A0] =	vst v63  }
0x49: {  	s0 =	sadd.s32 $0xFFFFFFFD, s28  }
0x4a: {  	p1 =	sgt.u32 s0, $0xC7  }
.Ltmp9:
0x4b: {  	_ = 	snop;
	(pc) =	sbr.rel @p1 .LBB2_8-.Ltmp9, $1  }
0x4c: {  	_ =	sdelay $0x3  }
.LBB2_7:
0x4d: {  	s0 =	sshll.u32 s0, $0xD  }
0x4e: {  	_ =	swait.ge [sflag:s12], $0x2000;
	s0 =	sadd.s32 s6, s0  }
0x4f: {  	[sflag:s12] =	ssyncset.done $0x0;
	s0 =	sshrl.u32 s0, $0x3  }
0x50: {  	[sflag:s12] =	ssyncadd.s32 $0xFFFFE000;
	s0 =	sadd.s32 s1, s0  }
0x51: {  	[hbm4b:s0+s3] =	stream.linear.scatter [tilespmem:s13], [sflag:$0x7], $0x2000, $0x38;
	[tilespmem:$0xF3A0] =	vst v63  }
.LBB2_8:
0x52: {  	p1 =	seq.s32 s30, $0x19000  }
0x53: {  	s0 =	simm.s32 @!p1 $0x6  }
0x54: {  	_ =	swait.ge @!p1 [sflag:s0], $0x2000  }
0x55: {  	[sflag:s0] =	ssyncset.done @!p1 $0x0  }
0x56: {  	[sflag:s0] =	ssyncadd.s32 @!p1 $0xFFFFE000;
	s0 =	sshra.s32 @!p1 s30, $0x2  }
0x57: {  	s4 =	simm.s32 @!p1 $0x80;
	s5 =	simm.s32 @!p1 $0x93A0;
	s0 =	sadd.s32 @!p1 $0x1020, s0  }
0x58: {  	[tilespmem:s5], [sflag:$0x2] =	stream.indirect.gather @!p1 [spmem:s2], $0x40, s0, s4, $0xb8;
	[tilespmem:$0xF3A0] =	vst v63  }
0x59: {  	s0 =	sadd.s32 @!p1 $0xFFFFFFFE, s28  }
0x5a: {  	p2 =	sgt.u32 @!p1 s0, $0xC7  }
0x5b: {  	p3 =	por p1, !p2  }
.Ltmp10:
0x5c: {  	_ = 	snop;
	(pc) =	sbr.rel @!p3 .LBB2_10-.Ltmp10, $2  }
0x5d: {  	_ =	sdelay $0x2  }
0x5e: {  	p2 =	por @!p1 $0x0, $0x0  }
0x5f: {  	s0 =	simm.s32 @p1 $0xC7  }
0x60: {  	s0 =	sshll.u32 s0, $0xD  }
0x61: {  	_ =	swait.ge [sflag:s14], $0x2000;
	s0 =	sadd.s32 s6, s0  }
0x62: {  	[sflag:s14] =	ssyncset.done $0x0;
	s0 =	sshrl.u32 s0, $0x3  }
0x63: {  	p2 =	por p1, p1;
	[sflag:s14] =	ssyncadd.s32 $0xFFFFE000;
	s0 =	sadd.s32 s1, s0  }
0x64: {  	[hbm4b:s0+s3] =	stream.linear.scatter [tilespmem:s15], [sflag:$0x8], $0x2000, $0x38;
	[tilespmem:$0xF3A0] =	vst v63  }
.LBB2_10:
.Ltmp11:
0x65: {  	(pc) =	sbr.rel @p1 .LBB2_13-.Ltmp11, $1  }
0x66: {  	_ =	sdelay $0x3  }
.Ltmp12:
0x67: {  	_ =	swait.ge [sflag:s16], $0x2000;
	(pc) =	sbr.rel @p2 .LBB2_15-.Ltmp12, $4  }
0x68: {  	s0 =	sshra.s32 s30, $0x2;
	[sflag:s16] =	ssyncset.done $0x0  }
0x69: {  	s0 =	sadd.s32 $0x10A0, s0;
	[sflag:s16] =	ssyncadd.s32 $0xFFFFE000  }
0x6a: {  	[tilespmem:s13], [sflag:$0x3] =	stream.indirect.gather [spmem:s2], $0x40, s0, s17, $0xb8;
	[tilespmem:$0xF3A0] =	vst v63  }
0x6b: {  	s0 =	smov.u32 s28  }
.LBB2_12:
0x6c: {  	_ =	swait.ge [sflag:s23], $0x2000  }
0x6d: {  	[sflag:s23] =	ssyncset.done $0x0  }
0x6e: {  	p1 =	seq.s32 s30, $0x0;
	[sflag:s23] =	ssyncadd.s32 $0xFFFFE000  }
0x6f: {  	[hbm4b:s29+s3] =	stream.linear.scatter [tilespmem:s24], [sflag:$0x5], $0x2000, $0x38;
	[tilespmem:$0xF3A0] =	vst v63  }
.Ltmp13:
0x70: {  	s4 =	simm.s32 @!p1 $0x8;
	(pc) =	sbr.rel .LBB2_14-.Ltmp13, $4  }
0x71: {  	_ =	swait.ge @!p1 [sflag:s4], $0x2000  }
0x72: {  	s5 =	sshra.s32 s30, $0x2;
	[sflag:s4] =	ssyncset.done @!p1 $0x0  }
0x73: {  	s5 =	sadd.s32 $0x1120, s5;
	[sflag:s4] =	ssyncadd.s32 @!p1 $0xFFFFE000  }
0x74: {  	[tilespmem:s15], [sflag:$0x4] =	stream.indirect.gather [spmem:s2], $0x40, s5, s17, $0xb8;
	[tilespmem:$0xF3A0] =	vst v63  }
.LBB2_17:
0x75: {  	_ =	sfence.sel $0x180000  }
0x76: {  	[bflag:$0x0] =	sbarrier.arrive $0xFFFF  }
0x77: {  	_ =	strace $0x90000047  }
0x78: {  	[bflag:$0x2] =	sbarrier.arrive $0xFFFF  }
0x79: {  	s0 =	rddreg [dreg:$0x3]  }
0x7a: {  	s0 =	sadd.s32 @!p0 $0x100000, s0  }
0x7b: {  	[sflag:s0] =	ssyncadd.tile.s32 @!p0 $0x1;
	_ =	shalt  }
.Lfunc_end2:
_tile_overlayer_lowered:
.L_overlay_start_2:
0x7c: {  	(tag) =	ssettag $0x2  }
0x7d: {  	s0 =	rddreg [dreg:$0x0];
	s2 =	stileid.u32  }
0x7e: {  	s1 =	rddreg [dreg:$0x1];
	p0 =	sne.s32 s2, $0x0  }
0x7f: {  	s3 =	rddreg [dreg:$0x2];
	[bflag:$0x3] =	sbarrier.arrive $0xFFFF;
	s2 =	simm.s32 @!p0 $0x1C09  }
0x80: {  	[timem:s3], [sflag:s2] =	dma.local @!p0 [hbm:s0], s1  }
0x81: {  	s0 =	simm.s32 @!p0 $0x9  }
0x82: {  	_ =	swait.ge @!p0 [sflag:s0], s1  }
0x83: {  	s1 =	ssub.s32 @!p0 $0x0, s1;
	[sflag:s0] =	ssyncset.done @!p0 $0x0  }
0x84: {  	[sflag:s0] =	ssyncadd.s32 @!p0 s1  }
0x85: {  	[bflag:$0x3] =	sbarrier.arrive $0xFFFF  }
0x86: {  	_ =	shalt  }

// kernel: sparse-core-data-format-call.cloned.1.call-start
scs
called_computation_lowered:
.L_overlay_start_0:
0x0: {  	s2 =	sld [smem:$0x3FD9]  }
0x1: {  	s3 =	sld [smem:$0x3FFE];
	_ =	sdelay $0x1  }
0x2: {  	s1 =	srdreg.scid  }
0x3: {  	s0 =	sand.u32 $0x1, s1  }
0x4: {  	s18 =	sshll.u32 s0, $0xA;
	s2 =	sadd.s32 s3, s2  }
0x5: {  	s2 =	sadd.s32 s2, s18  }
0x6: {  	[smem:$0x3FC6] =	sst s2  }
0x7: {  	_ = 	snop  }
0x8: {  	s2 =	sld [smem:$0x3FD0];
	(tm) =	ssettm $0x1  }
0x9: {  	s19 =	sld [smem:$0x3FFB];
	_ =	sdelay $0x3  }
0xa: {  	_ =	strace s19  }
0xb: {  	s3 =	sld [smem:$0x3FFC];
	_ =	sdelay $0x3  }
0xc: {  	_ =	strace s3  }
0xd: {  	s3 =	sld [smem:$0x3FFD];
	_ =	sdelay $0x3  }
0xe: {  	_ =	strace s3  }
0xf: {  	_ =	strace $0x8FFFFFFF  }
0x10: {  	s20 =	sld [smem:$0x3FDB];
	_ =	sdelay $0x1  }
0x11: {  	s4 =	simm.s32 $_scs_section_size  }
0x12: {  	s5 =	simm.s32 $_size__tile_overlayer_lowered;
	s6 =	simm.s32 $_tile_overlayer_lowered  }
0x13: {  	s23 =	simm.s32 $0x1BFF;
	s22 =	sshll.u32 s6, $0x1;
	s3 =	sadd.s32 s4, s20  }
0x14: {  	s7 =	simm.s32 $0x0;
	s21 =	sshll.u32 s5, $0x1;
	s5 =	sadd.s32 s22, s3  }
0x15: {  	[timem:s7], [sflag:s23] =	dma.local [hbm:s5], s21  }
0x16: {  	_ =	swait.ge [sflag:s23], s21  }
0x17: {  	s4 =	ssub.s32 $0x0, s21;
	[sflag:s23] =	ssyncset.done $0x0  }
0x18: {  	[sflag:s23] =	ssyncadd.s32 s4;
	_ =	sdelay $0x1  }
0x19: {  	s24 =	simm.s32 $0x1B8B  }
0x1a: {  	_ =	swait.ge [sflag:s24], $0x1  }
0x1b: {  	[sflag:s24] =	ssyncset.done $0x0  }
0x1c: {  	s26 =	simm.s32 $0x1B8E;
	s25 =	sld [smem:$0x3FFE];
	[sflag:s24] =	ssyncadd.s32 $0xFFFFFFFF  }
0x1d: {  	s27 =	simm.s32 $execute0_lowered;
	[smem:$0x3FD2] =	sst s26  }
0x1e: {  	s5 =	sshll.u32 s27, $0x1;
	_ =	strace $0x80000049;
	[dreg:$0x1] =	wrdreg $0xFFFFFFFF  }
0x1f: {  	s28 =	simm.s32 $_size_execute0_lowered;
	s3 =	sadd.s32 s3, s5;
	[dreg:$0x0] =	wrdreg $0x0  }
0x20: {  	s5 =	sshll.u32 s28, $0x1;
	[dreg:$0x2] =	wrdreg s3  }
0x21: {  	[dreg:$0x3] =	wrdreg s5  }
0x22: {  	[dreg:$0x4] =	wrdreg $0xC0  }
0x23: {  	_ =	task [dreg:s7], $0x5FFFF  }
0x24: {  	[dreg:$0x1] =	wrdreg $0xFFFFFFFF  }
0x25: {  	[dreg:$0x0] =	wrdreg $0x60  }
0x26: {  	[dreg:$0x2] =	wrdreg s25  }
0x27: {  	[dreg:$0x3] =	wrdreg s2  }
0x28: {  	[dreg:$0x4] =	wrdreg $0x9  }
0x29: {  	_ =	task.clear_ibuf [dreg:s7], $0x5FFFF;
	_ =	strace $0x90000049  }
0x2a: {  	s29 =	simm.s32 $0x9;
	_ =	strace $0x8000004B  }
0x2b: {  	_ =	swait.ge [sflag:s29], $0x1  }
0x2c: {  	[sflag:s29] =	ssyncadd.s32 $0xFFFFFFFF  }
0x2d: {  	_ =	strace $0x9000004B  }
0x2e: {  	_ =	sfence  }
0x2f: {  	s30 =	sld [smem:$0x0];
	_ =	sdelay $0x2  }
0x30: {  	s31 =	sshll.u32 s1, $0xD;
	s1 =	sshrl.u32 s1, $0x2  }
0x31: {  	s3 =	sand.u32 $0x4000, s31;
	s1 =	sadd.s32 s1, s30  }
0x32: {  	s0 =	sor.u32 s3, s0;
	s1 =	sshll.u32 s1, $0x11  }
0x33: {  	s0 =	sor.u32 s1, s0  }
0x34: {  	s0 =	sadd.s32 $0x8F2B, s0  }
0x35: {  	[sflag:s0] =	ssyncadd.remote.s32 $0x1  }
0x36: {  	_ =	sfence.sel $0xFFFF  }
0x37: {  	[dreg:$0x0] =	wrdreg $0xFFFFFFFF;
	(pc) =	sbr.abs _section_cstart, $3  }
0x38: {  	[dreg:$0x1] =	wrdreg $0xFFFFFFFF  }
0x39: {  	_ =	task.clear_ibuf [dreg:s7], $0x2FFFF;
	_ =	strace $0x9FFFFFFF  }
0x3a: {  	(tm) =	ssettm $0x7FFFFFFF  }
0x3b: {  	_ =	shalt  }
tec
execute0_lowered:
.L_overlay_start_1:
0x0: {  	(tag) =	ssettag $0x1  }
0x1: {  	s0 =	srdreg.scid  }
0x2: {  	s1 =	sshll.u32 s0, $0x4  }
0x3: {  	s0 =	stileid.u32;
	s1 =	sand.u32 $0x10, s1  }
0x4: {  	s1 =	sor.u32 s0, s1  }
0x5: {  	s6 =	rddreg [dreg:$0x0];
	s4 =	simm.s32 $0x1;
	s2 =	sshll.u32 s1, $0x7  }
0x6: {  	s7 =	simm.s32 $0x2;
	s12 =	simm.s32 $0x0;
	s1 =	ssub.s32 $0x4000, s2  }
0x7: {  	s8 =	simm.s32 $0x20000;
	s13 =	simm.s32 $0x0;
	s3 =	sand.u32 $0xF80, s1  }
0x8: {  	s9 =	simm.s32 $0x0;
	s5 =	sshrl.u32 s1, $0xC;
	p0 =	sne.s32 s3, $0x0  }
.Ltmp0:
0x9: {  	s1 =	rddreg [dreg:$0x2];
	s4 =	simm.s32 @!p0 $0x0;
	(pc) =	sbr.rel .LBB1_1-.Ltmp0, $4  }
0xa: {  	s11 =	simm.s32 $0x0;
	s3 =	rddreg [dreg:$0x1];
	s5 =	sadd.s32 s4, s5  }
0xb: {  	_ =	strace $0x8000004A;
	s4 =	simm.s32 $0x1;
	s5 =	smul.u32 $0x32, s5  }
0xc: {  	s6 =	sadd.s32 $0x800, s6;
	s10 =	smov.u32 s2;
	[sflag:s4] =	ssyncpa.u1 $0x0  }
0xd: {  	p0 =	por $0x0, $0x0;
	[sflag:s7] =	ssyncpa.u1 $0x0;
	s7 =	sor.u32 $0x1, s5  }
.LBB1_4:
0xe: {  	s16 =	sshll.u32 s13, $0x3;
	s17 =	sand.u32 $0x78, s13  }
0xf: {  	s30 =	sand.u32 $0x1F800, s13;
	s12 =	sshll.u32 s12, $0x11;
	s16 =	sand.u32 $0x3C00, s16  }
0x10: {  	[tilespmem:s15+$0x810 ss:$0x81] =	vst.msk $0xffff, v2;
	s31 =	sand.u32 $0x7, s13;
	s16 =	sor.u32 s17, s16;
	s17 =	sadd.s32 s3, s30  }
0x11: {  	[tilespmem:s15+$0x1020 ss:$0x81] =	vst.msk $0xffff, v0;
	s13 =	sshll.u32 s31, $0x12;
	s12 =	sadd.s32 s12, s17;
	s16 =	sshrl.u32 s16, $0x3  }
0x12: {  	[tilespmem:s15+$0x0 ss:$0x81] =	vst.msk $0xffff, v1;
	s13 =	sor.u32 $0x400, s13;
	s12 =	sadd.s32 s16, s12  }
0x13: {  	[hbm4b:s12+s13] =	stream.strided.scatter [tilespmem:s14], [sflag:$0x2], $0x2000, s8, s13, $0x20;
	[tilespmem:$0x8080] =	vst v63  }
.LBB1_5:
0x14: {  	s14 =	sadd.s32 $0x1, s9  }
0x15: {  	s12 =	sadd.s32 $0x1000, s10;
	s16 =	smov.u32 s10;
	p2 =	sgt.s32 s14, $0x31  }
0x16: {  	s16 =	smov.u32 @p2 s12  }
0x17: {  	s14 =	simm.s32 @p2 $0x0;
	p2 =	sgt.s32 s16, $0x3FFF  }
0x18: {  	s16 =	smov.u32 @p2 s2;
	p2 =	sne.s32 s11, s7  }
.Ltmp1:
0x19: {  	p1 =	slt.u32 s11, $0x2;
	(pc) =	sbr.rel @!p2 .LBB1_6-.Ltmp1, $4  }
0x1a: {  	s15 =	simm.s32 @!p1 $0x2  }
0x1b: {  	s13 =	smov.u32 s10;
	p0 =	por !p0, !p0;
	_ =	swait.ge @!p1 [sflag:s15], $0x2000  }
0x1c: {  	s12 =	smov.u32 s9;
	[sflag:s15] =	ssyncset.done @!p1 $0x0;
	s9 =	smov.u32 s14  }
0x1d: {  	s11 =	sadd.s32 $0x1, s11;
	[sflag:s15] =	ssyncadd.s32 @!p1 $0xFFFFE000;
	s10 =	smov.u32 s16  }
.LBB1_1:
0x1e: {  	p1 =	sge.u32 s11, s5  }
0x1f: {  	s14 =	sand.u32 @!p1 $0x1FFFFFF, s9  }
0x20: {  	s15 =	smulhi.u32 @!p1 $0x4924925, s14;
	_ =	sdelay $0x1  }
0x21: {  	s15 =	smul.u32 @!p1 $0x38, s15  }
0x22: {  	s16 =	sxor.u32 @!p1 $0xFFFFFFFF, s11;
	s17 =	smul.u32 @!p1 $0x380, s10  }
0x23: {  	s31 =	sadd.s32 $0xFFFFFFFF, s11;
	s16 =	sshll.u32 @!p1 s16, $0xD;
	s14 =	ssub.s32 @!p1 s14, s15  }
0x24: {  	s15 =	sand.u32 @!p1 $0x2000, s16;
	s16 =	sadd.s32 @!p1 s6, s17;
	s14 =	sshll.u32 @!p1 s14, $0x4  }
0x25: {  	s17 =	simm.s32 @!p1 $0x1C00;
	s14 =	sadd.s32 @!p1 s14, s16;
	s16 =	simm.s32 @!p1 $0x40  }
0x26: {  	[tilespmem:s15], [sflag:$0x1] =	stream.strided.gather @!p1 [hbm4b:s14+s16], $0x2000, s17, s16, $0x38;
	[tilespmem:$0x8080] =	vst v63  }
0x27: {  	p1 =	sge.u32 s31, s5  }
.Ltmp2:
0x28: {  	_ = 	snop;
	(pc) =	sbr.rel @p1 .LBB1_5-.Ltmp2, $1  }
0x29: {  	_ =	sdelay $0x3  }
0x2a: {  	s14 =	simm.s32 $0x1  }
0x2b: {  	_ =	swait.ge [sflag:s4], $0x2000;
	s14 =	simm.s32 @!p0 $0x0  }
0x2c: {  	[sflag:s4] =	ssyncset.done $0x0;
	s15 =	sshll.u32 s14, $0xD  }
0x2d: {  	[sflag:s4] =	ssyncadd.s32 $0xFFFFE000;
	s18 =	sor.u32 $0x20, s15  }
0x2e: {  	s14 =	smul.u32 $0x8100, s14;
	v3 =	vld [tilespmem:s18+$0x10]  }
0x2f: {  	s30 =	sand.u32 $0x1, s11;
	v2 =	vld [tilespmem:s18+$0xFFFFFFF0]  }
0x30: {  	s15 =	smul.u32 $0x8100, s30;
	s14 =	sshrl.u32 s14, $0x2;
	v0 =	vld [tilespmem:s18+$0x0]  }
0x31: {  	v1 =	vld [tilespmem:s18+$0xFFFFFFE0];
	s16 =	sor.u32 $0x4000, s14  }
0x32: {  	s31 =	sshrl.u32 s15, $0x2;
	s15 =	sadd.s32 $0x0, s16  }
0x33: {  	s17 =	simm.s32 $0x4;
	s18 =	sadd.s32 $0x40, s18;
	s14 =	sor.u32 $0x4000, s31;
	[tilespmem:s15+$0x1830 ss:$0x81] =	vst.msk $0xffff, v3  }
.LBB1_3:
0x34: {  	v3 =	vld [tilespmem:s18+$0x10];
	p1 =	sne.s32 s17, $0x1FC;
	[tilespmem:s15+$0x810 ss:$0x81] =	vst.msk $0xffff, v2;
	s19 =	smov.u32 s17;
	s17 =	sadd.s32 $0x4, s17  }
.Ltmp3:
0x35: {  	v2 =	vld [tilespmem:s18+$0xFFFFFFF0];
	[tilespmem:s15+$0x1020 ss:$0x81] =	vst.msk $0xffff, v0;
	(pc) =	sbr.rel @p1 .LBB1_3-.Ltmp3, $4  }
0x36: {  	v0 =	vld [tilespmem:s18+$0x0];
	[tilespmem:s15+$0x0 ss:$0x81] =	vst.msk $0xffff, v1  }
0x37: {  	s15 =	sshra.s32 s19, $0x2;
	v1 =	vld [tilespmem:s18+$0xFFFFFFE0]  }
0x38: {  	s15 =	sadd.s32 s15, s16  }
0x39: {  	s18 =	sadd.s32 $0x40, s18;
	[tilespmem:s15+$0x1830 ss:$0x81] =	vst.msk $0xffff, v3  }
.Ltmp4:
0x3a: {  	_ = 	snop;
	(pc) =	sbr.rel .LBB1_4-.Ltmp4, $1  }
0x3b: {  	_ =	sdelay $0x3  }
.LBB1_6:
0x3c: {  	_ =	sfence.sel $0x180000  }
0x3d: {  	s2 =	simm.s32 $0x1;
	[bflag:$0x0] =	sbarrier.arrive $0xFFFF  }
0x3e: {  	s31 =	simm.s32 $0x2;
	[sflag:s2] =	ssyncpa.u1 $0x1  }
0x3f: {  	[sflag:s31] =	ssyncpa.u1 $0x1  }
0x40: {  	p0 =	sne.s32 s0, $0x0;
	_ =	strace $0x9000004A  }
0x41: {  	s0 =	sadd.s32 @!p0 $0x100000, s1;
	[bflag:$0x2] =	sbarrier.arrive $0xFFFF  }
0x42: {  	[sflag:s0] =	ssyncadd.tile.s32 @!p0 $0x1;
	_ =	shalt  }
.Lfunc_end1:
_tile_overlayer_lowered:
.L_overlay_start_2:
0x43: {  	(tag) =	ssettag $0x2  }
0x44: {  	s0 =	rddreg [dreg:$0x0];
	s2 =	stileid.u32  }
0x45: {  	s1 =	rddreg [dreg:$0x1];
	p0 =	sne.s32 s2, $0x0  }
0x46: {  	s3 =	rddreg [dreg:$0x2];
	[bflag:$0x3] =	sbarrier.arrive $0xFFFF;
	s2 =	simm.s32 @!p0 $0x1C01  }
0x47: {  	[timem:s3], [sflag:s2] =	dma.local @!p0 [hbm:s0], s1  }
0x48: {  	s0 =	simm.s32 @!p0 $0x1  }
0x49: {  	_ =	swait.ge @!p0 [sflag:s0], s1  }
0x4a: {  	s1 =	ssub.s32 @!p0 $0x0, s1;
	[sflag:s0] =	ssyncset.done @!p0 $0x0  }
0x4b: {  	[sflag:s0] =	ssyncadd.s32 @!p0 s1  }
0x4c: {  	[bflag:$0x3] =	sbarrier.arrive $0xFFFF  }
0x4d: {  	_ =	shalt  }

</sc_bundles>
